<compile_context>
chip_gen: v7x
topology: tpu7x:2x2x1
jax: 0.10.2.dev20260603
libtpu: 0.0.44.dev20260713+nightly
codegen_flags: <defaults>
</compile_context>

<pallas_src>
import jax
import jax.numpy as jnp
from jax import lax
from jax.experimental import pallas as pl
from jax.experimental.pallas import tpu as pltpu
from jax.experimental.pallas import tpu_sc as plsc

VOCAB_SIZE = 1000000
EMBED_DIM = 32
BATCH = 16384
HIST = 50

_info = plsc.get_sparse_core_info()
NC = _info.num_cores
NS = _info.num_subcores
NW = NC * NS

B_PER_W = BATCH // NW
CHUNK = 128
N_CHUNKS = B_PER_W // CHUNK


def _embed_body(idx_hbm, table_hbm, out_hbm, idx_v, rows_v, gsems, wsems):
    wid = lax.axis_index("s") * NC + lax.axis_index("c")
    base = wid * B_PER_W

    for c in range(N_CHUNKS):
        pltpu.sync_copy(
            idx_hbm.at[:, pl.ds(base + c * CHUNK, CHUNK)], idx_v.at[c]
        )

    def issue_gathers(h, b):
        for c in range(N_CHUNKS):
            pltpu.async_copy(
                table_hbm.at[idx_v.at[c, h]],
                rows_v.at[b, pl.ds(c * CHUNK, CHUNK)],
                gsems[b],
            )

    def drain_gathers(b):
        pltpu.make_async_copy(
            table_hbm.at[pl.ds(0, B_PER_W), pl.ds(0, EMBED_DIM)],
            rows_v.at[b],
            gsems[b],
        ).wait()

    def issue_writeout(h, b):
        pltpu.async_copy(
            rows_v.at[b], out_hbm.at[h, pl.ds(base, B_PER_W)], wsems[b]
        )

    def drain_writeout(b):
        pltpu.make_async_copy(
            table_hbm.at[pl.ds(0, B_PER_W), pl.ds(0, EMBED_DIM)],
            rows_v.at[b],
            wsems[b],
        ).wait()

    def body(h, bh, b, ahead, first):
        if ahead:
            if not first:
                drain_writeout(b)
            issue_gathers(h + 2, b)
        drain_gathers(bh)
        issue_writeout(h, bh)

    issue_gathers(0, 0)
    issue_gathers(1, 1)
    body(0, 0, 2, ahead=True, first=True)
    body(1, 1, 3, ahead=True, first=True)

    def quad_step(t, carry):
        for b in range(4):
            h = 4 * t + 2 + b
            body(h, (2 + b) % 4, b, ahead=True, first=False)
        return carry

    lax.fori_loop(0, (HIST - 6) // 4, quad_step, 0, unroll=False)

    for b in range(4):
        h = HIST - 4 + b
        body(h, (2 + b) % 4, b, ahead=(h + 2 < HIST), first=False)
    for h in range(HIST - 4, HIST):
        drain_writeout((2 + h - (HIST - 4)) % 4)


@jax.jit
def _embed(word_t, table):
    mesh = plsc.VectorSubcoreMesh(core_axis_name="c", subcore_axis_name="s")
    k = pl.kernel(
        _embed_body,
        out_type=jax.ShapeDtypeStruct((HIST, BATCH, EMBED_DIM), jnp.float32),
        mesh=mesh,
        scratch_types=[
            pltpu.VMEM((N_CHUNKS, HIST, CHUNK), jnp.int32),
            pltpu.VMEM((4, B_PER_W, EMBED_DIM), jnp.float32),
            [pltpu.SemaphoreType.DMA] * 4,
            [pltpu.SemaphoreType.DMA] * 4,
        ],
        compiler_params=pltpu.CompilerParams(use_tc_tiling_on_sc=False),
    )
    return k(word_t, table)


def kernel(word, table):
    word_t = word.T.astype(jnp.int32)
    out = _embed(word_t, table)
    return jnp.transpose(out, (1, 0, 2))

# --- scband reference (transcript-rebuilt; emitter-appended) ---
"""Pipeline reference for scband-word-embedder-55138790146424 (READ-ONLY COPY).

The authoritative reference and input builder live on the scoring server;
editing this copy changes nothing except your own understanding.
"""

import jax, jax.numpy as jnp
import numpy as np

VOCAB_SIZE = 1000000
EMBED_DIM = 32
BATCH = 16384
HIST = 50

def setup_inputs(seed: int = 0) -> dict:
    key = jax.random.key(seed)
    k_idx, k_tab = jax.random.split(key)
    word = jax.random.randint(k_idx, (BATCH, HIST), 0, VOCAB_SIZE, dtype=jnp.int64 if jax.config.jax_enable_x64 else jnp.int32)
    table = jax.random.normal(k_tab, (VOCAB_SIZE, EMBED_DIM), dtype=jnp.float32)
    return {"word": word, "table": table}

def reference(word, table):
    # nn.Embedding forward: row gather from the embedding table
    return jnp.take(table, word, axis=0)

if __name__ == "__main__":
    import jax
    _d = setup_inputs()
    print(jax.jit(kernel)(*tuple(_d.values())))

</pallas_src>

<mosaic_0001>
#map = affine_map<(d0, d1) -> (0, 0)>
#map1 = affine_map<(d0, d1) -> (0, 0, 0)>
module attributes {stable_mosaic.version = 14 : i64} {
  func.func @_embed_body(%arg0: i32, %arg1: i32, %arg2: memref<50x16384xi32, #tpu.memory_space<hbm>>, %arg3: memref<1000000x32xf32, #tpu.memory_space<hbm>>, %arg4: memref<50x16384x32xf32, #tpu.memory_space<hbm>>, %arg5: memref<4x50x128xi32, #tpu.memory_space<vmem>>, %arg6: memref<4x512x32xf32, #tpu.memory_space<vmem>>, %arg7: memref<!tpu.dma_semaphore, #tpu.memory_space<semaphore_mem>>, %arg8: memref<!tpu.dma_semaphore, #tpu.memory_space<semaphore_mem>>, %arg9: memref<!tpu.dma_semaphore, #tpu.memory_space<semaphore_mem>>, %arg10: memref<!tpu.dma_semaphore, #tpu.memory_space<semaphore_mem>>, %arg11: memref<!tpu.dma_semaphore, #tpu.memory_space<semaphore_mem>>, %arg12: memref<!tpu.dma_semaphore, #tpu.memory_space<semaphore_mem>>, %arg13: memref<!tpu.dma_semaphore, #tpu.memory_space<semaphore_mem>>, %arg14: memref<!tpu.dma_semaphore, #tpu.memory_space<semaphore_mem>>) attributes {dimension_semantics = [#tpu.dimension_semantics<core_parallel>, #tpu.dimension_semantics<subcore_parallel>], iteration_bounds = array<i64: 2, 16>, scalar_prefetch = 0 : i64, scratch_operands = 10 : i64, tpu.core_type = #tpu.core_type<sc_vector_subcore>, window_params = [{transform_indices = #map}, {transform_indices = #map}, {transform_indices = #map1}]} {
    %mul3A = arith.constant 2 : i32
    %mul3A_0 = arith.muli %arg1, %mul3A : i32
    %add3A = arith.addi %mul3A_0, %arg0 : i32
    %mul3A_1 = arith.constant 512 : i32
    %mul3A_2 = arith.muli %add3A, %mul3A_1 : i32
    %add3A_3 = arith.constant 0 : i32
    %add3A_4 = arith.addi %mul3A_2, %add3A_3 : i32
    %run_scoped3A = arith.constant 0 : i32
    "tpu.region"() ({
      %run_scoped3A_605 = tpu.sem_alloc : memref<!tpu.dma_semaphore, #tpu.memory_space<semaphore_mem>>
      %dma_start3A_606 = arith.constant 0 : i32
      %dma_start3A_607 = arith.constant 0 : i32
      %dma_start3A_608 = tpu.memref_slice %arg5[%run_scoped3A, %dma_start3A_606, %dma_start3A_607] : memref<4x50x128xi32, #tpu.memory_space<vmem>> -> memref<1x50x128xi32, #tpu.memory_space<vmem>>
      %dma_start3A_609 = tpu.memref_squeeze %dma_start3A_608 : memref<1x50x128xi32, #tpu.memory_space<vmem>> -> memref<50x128xi32, #tpu.memory_space<vmem>>
      %dma_start3A_610 = arith.constant 0 : i32
      %dma_start3A_611 = tpu.memref_slice %arg2[%dma_start3A_610, %add3A_4] : memref<50x16384xi32, #tpu.memory_space<hbm>> -> memref<50x128xi32, #tpu.memory_space<hbm>>
      %dma_start3A_612 = arith.constant 0 : i32
      %dma_start3A_613 = arith.constant 0 : i32
      %dma_start3A_614 = tpu.memref_slice %arg5[%run_scoped3A, %dma_start3A_612, %dma_start3A_613] : memref<4x50x128xi32, #tpu.memory_space<vmem>> -> memref<1x50x128xi32, #tpu.memory_space<vmem>>
      %dma_start3A_615 = tpu.memref_squeeze %dma_start3A_614 : memref<1x50x128xi32, #tpu.memory_space<vmem>> -> memref<50x128xi32, #tpu.memory_space<vmem>>
      %dma_start3A_616 = arith.constant 0 : i32
      %dma_start3A_617 = tpu.memref_slice %arg2[%dma_start3A_616, %add3A_4] : memref<50x16384xi32, #tpu.memory_space<hbm>> -> memref<50x128xi32, #tpu.memory_space<hbm>>
      tpu.enqueue_dma source(%dma_start3A_617 : memref<50x128xi32, #tpu.memory_space<hbm>>) target(%dma_start3A_615 : memref<50x128xi32, #tpu.memory_space<vmem>>) target_semaphore(%run_scoped3A_605 : memref<!tpu.dma_semaphore, #tpu.memory_space<semaphore_mem>>)
      %dma_wait3A_618 = arith.constant 0 : i32
      %dma_wait3A_619 = arith.constant 0 : i32
      %dma_wait3A_620 = tpu.memref_slice %arg5[%run_scoped3A, %dma_wait3A_618, %dma_wait3A_619] : memref<4x50x128xi32, #tpu.memory_space<vmem>> -> memref<1x50x128xi32, #tpu.memory_space<vmem>>
      %dma_wait3A_621 = tpu.memref_squeeze %dma_wait3A_620 : memref<1x50x128xi32, #tpu.memory_space<vmem>> -> memref<50x128xi32, #tpu.memory_space<vmem>>
      %dma_wait3A_622 = arith.constant 0 : i32
      %dma_wait3A_623 = tpu.memref_slice %arg2[%dma_wait3A_622, %add3A_4] : memref<50x16384xi32, #tpu.memory_space<hbm>> -> memref<50x128xi32, #tpu.memory_space<hbm>>
      %dma_wait3A_624 = arith.constant 0 : i32
      %dma_wait3A_625 = arith.constant 0 : i32
      %dma_wait3A_626 = tpu.memref_slice %arg5[%run_scoped3A, %dma_wait3A_624, %dma_wait3A_625] : memref<4x50x128xi32, #tpu.memory_space<vmem>> -> memref<1x50x128xi32, #tpu.memory_space<vmem>>
      %dma_wait3A_627 = tpu.memref_squeeze %dma_wait3A_626 : memref<1x50x128xi32, #tpu.memory_space<vmem>> -> memref<50x128xi32, #tpu.memory_space<vmem>>
      %dma_wait3A_628 = arith.constant 0 : i32
      %dma_wait3A_629 = tpu.memref_slice %arg2[%dma_wait3A_628, %add3A_4] : memref<50x16384xi32, #tpu.memory_space<hbm>> -> memref<50x128xi32, #tpu.memory_space<hbm>>
      tpu.wait_dma2 semaphore(%run_scoped3A_605 : memref<!tpu.dma_semaphore, #tpu.memory_space<semaphore_mem>>) src(%dma_wait3A_629 : memref<50x128xi32, #tpu.memory_space<hbm>>) dst(%dma_wait3A_627 : memref<50x128xi32, #tpu.memory_space<vmem>>)
      tpu.yield
    }) : () -> ()
    %add3A_5 = arith.constant 128 : i32
    %add3A_6 = arith.addi %mul3A_2, %add3A_5 : i32
    %run_scoped3A_7 = arith.constant 1 : i32
    "tpu.region"() ({
      %run_scoped3A_605 = tpu.sem_alloc : memref<!tpu.dma_semaphore, #tpu.memory_space<semaphore_mem>>
      %dma_start3A_606 = arith.constant 0 : i32
      %dma_start3A_607 = arith.constant 0 : i32
      %dma_start3A_608 = tpu.memref_slice %arg5[%run_scoped3A_7, %dma_start3A_606, %dma_start3A_607] : memref<4x50x128xi32, #tpu.memory_space<vmem>> -> memref<1x50x128xi32, #tpu.memory_space<vmem>>
      %dma_start3A_609 = tpu.memref_squeeze %dma_start3A_608 : memref<1x50x128xi32, #tpu.memory_space<vmem>> -> memref<50x128xi32, #tpu.memory_space<vmem>>
      %dma_start3A_610 = arith.constant 0 : i32
      %dma_start3A_611 = tpu.memref_slice %arg2[%dma_start3A_610, %add3A_6] : memref<50x16384xi32, #tpu.memory_space<hbm>> -> memref<50x128xi32, #tpu.memory_space<hbm>>
      %dma_start3A_612 = arith.constant 0 : i32
      %dma_start3A_613 = arith.constant 0 : i32
      %dma_start3A_614 = tpu.memref_slice %arg5[%run_scoped3A_7, %dma_start3A_612, %dma_start3A_613] : memref<4x50x128xi32, #tpu.memory_space<vmem>> -> memref<1x50x128xi32, #tpu.memory_space<vmem>>
      %dma_start3A_615 = tpu.memref_squeeze %dma_start3A_614 : memref<1x50x128xi32, #tpu.memory_space<vmem>> -> memref<50x128xi32, #tpu.memory_space<vmem>>
      %dma_start3A_616 = arith.constant 0 : i32
      %dma_start3A_617 = tpu.memref_slice %arg2[%dma_start3A_616, %add3A_6] : memref<50x16384xi32, #tpu.memory_space<hbm>> -> memref<50x128xi32, #tpu.memory_space<hbm>>
      tpu.enqueue_dma source(%dma_start3A_617 : memref<50x128xi32, #tpu.memory_space<hbm>>) target(%dma_start3A_615 : memref<50x128xi32, #tpu.memory_space<vmem>>) target_semaphore(%run_scoped3A_605 : memref<!tpu.dma_semaphore, #tpu.memory_space<semaphore_mem>>)
      %dma_wait3A_618 = arith.constant 0 : i32
      %dma_wait3A_619 = arith.constant 0 : i32
      %dma_wait3A_620 = tpu.memref_slice %arg5[%run_scoped3A_7, %dma_wait3A_618, %dma_wait3A_619] : memref<4x50x128xi32, #tpu.memory_space<vmem>> -> memref<1x50x128xi32, #tpu.memory_space<vmem>>
      %dma_wait3A_621 = tpu.memref_squeeze %dma_wait3A_620 : memref<1x50x128xi32, #tpu.memory_space<vmem>> -> memref<50x128xi32, #tpu.memory_space<vmem>>
      %dma_wait3A_622 = arith.constant 0 : i32
      %dma_wait3A_623 = tpu.memref_slice %arg2[%dma_wait3A_622, %add3A_6] : memref<50x16384xi32, #tpu.memory_space<hbm>> -> memref<50x128xi32, #tpu.memory_space<hbm>>
      %dma_wait3A_624 = arith.constant 0 : i32
      %dma_wait3A_625 = arith.constant 0 : i32
      %dma_wait3A_626 = tpu.memref_slice %arg5[%run_scoped3A_7, %dma_wait3A_624, %dma_wait3A_625] : memref<4x50x128xi32, #tpu.memory_space<vmem>> -> memref<1x50x128xi32, #tpu.memory_space<vmem>>
      %dma_wait3A_627 = tpu.memref_squeeze %dma_wait3A_626 : memref<1x50x128xi32, #tpu.memory_space<vmem>> -> memref<50x128xi32, #tpu.memory_space<vmem>>
      %dma_wait3A_628 = arith.constant 0 : i32
      %dma_wait3A_629 = tpu.memref_slice %arg2[%dma_wait3A_628, %add3A_6] : memref<50x16384xi32, #tpu.memory_space<hbm>> -> memref<50x128xi32, #tpu.memory_space<hbm>>
      tpu.wait_dma2 semaphore(%run_scoped3A_605 : memref<!tpu.dma_semaphore, #tpu.memory_space<semaphore_mem>>) src(%dma_wait3A_629 : memref<50x128xi32, #tpu.memory_space<hbm>>) dst(%dma_wait3A_627 : memref<50x128xi32, #tpu.memory_space<vmem>>)
      tpu.yield
    }) : () -> ()
    %add3A_8 = arith.constant 256 : i32
    %add3A_9 = arith.addi %mul3A_2, %add3A_8 : i32
    %run_scoped3A_10 = arith.constant 2 : i32
    "tpu.region"() ({
      %run_scoped3A_605 = tpu.sem_alloc : memref<!tpu.dma_semaphore, #tpu.memory_space<semaphore_mem>>
      %dma_start3A_606 = arith.constant 0 : i32
      %dma_start3A_607 = arith.constant 0 : i32
      %dma_start3A_608 = tpu.memref_slice %arg5[%run_scoped3A_10, %dma_start3A_606, %dma_start3A_607] : memref<4x50x128xi32, #tpu.memory_space<vmem>> -> memref<1x50x128xi32, #tpu.memory_space<vmem>>
      %dma_start3A_609 = tpu.memref_squeeze %dma_start3A_608 : memref<1x50x128xi32, #tpu.memory_space<vmem>> -> memref<50x128xi32, #tpu.memory_space<vmem>>
      %dma_start3A_610 = arith.constant 0 : i32
      %dma_start3A_611 = tpu.memref_slice %arg2[%dma_start3A_610, %add3A_9] : memref<50x16384xi32, #tpu.memory_space<hbm>> -> memref<50x128xi32, #tpu.memory_space<hbm>>
      %dma_start3A_612 = arith.constant 0 : i32
      %dma_start3A_613 = arith.constant 0 : i32
      %dma_start3A_614 = tpu.memref_slice %arg5[%run_scoped3A_10, %dma_start3A_612, %dma_start3A_613] : memref<4x50x128xi32, #tpu.memory_space<vmem>> -> memref<1x50x128xi32, #tpu.memory_space<vmem>>
      %dma_start3A_615 = tpu.memref_squeeze %dma_start3A_614 : memref<1x50x128xi32, #tpu.memory_space<vmem>> -> memref<50x128xi32, #tpu.memory_space<vmem>>
      %dma_start3A_616 = arith.constant 0 : i32
      %dma_start3A_617 = tpu.memref_slice %arg2[%dma_start3A_616, %add3A_9] : memref<50x16384xi32, #tpu.memory_space<hbm>> -> memref<50x128xi32, #tpu.memory_space<hbm>>
      tpu.enqueue_dma source(%dma_start3A_617 : memref<50x128xi32, #tpu.memory_space<hbm>>) target(%dma_start3A_615 : memref<50x128xi32, #tpu.memory_space<vmem>>) target_semaphore(%run_scoped3A_605 : memref<!tpu.dma_semaphore, #tpu.memory_space<semaphore_mem>>)
      %dma_wait3A_618 = arith.constant 0 : i32
      %dma_wait3A_619 = arith.constant 0 : i32
      %dma_wait3A_620 = tpu.memref_slice %arg5[%run_scoped3A_10, %dma_wait3A_618, %dma_wait3A_619] : memref<4x50x128xi32, #tpu.memory_space<vmem>> -> memref<1x50x128xi32, #tpu.memory_space<vmem>>
      %dma_wait3A_621 = tpu.memref_squeeze %dma_wait3A_620 : memref<1x50x128xi32, #tpu.memory_space<vmem>> -> memref<50x128xi32, #tpu.memory_space<vmem>>
      %dma_wait3A_622 = arith.constant 0 : i32
      %dma_wait3A_623 = tpu.memref_slice %arg2[%dma_wait3A_622, %add3A_9] : memref<50x16384xi32, #tpu.memory_space<hbm>> -> memref<50x128xi32, #tpu.memory_space<hbm>>
      %dma_wait3A_624 = arith.constant 0 : i32
      %dma_wait3A_625 = arith.constant 0 : i32
      %dma_wait3A_626 = tpu.memref_slice %arg5[%run_scoped3A_10, %dma_wait3A_624, %dma_wait3A_625] : memref<4x50x128xi32, #tpu.memory_space<vmem>> -> memref<1x50x128xi32, #tpu.memory_space<vmem>>
      %dma_wait3A_627 = tpu.memref_squeeze %dma_wait3A_626 : memref<1x50x128xi32, #tpu.memory_space<vmem>> -> memref<50x128xi32, #tpu.memory_space<vmem>>
      %dma_wait3A_628 = arith.constant 0 : i32
      %dma_wait3A_629 = tpu.memref_slice %arg2[%dma_wait3A_628, %add3A_9] : memref<50x16384xi32, #tpu.memory_space<hbm>> -> memref<50x128xi32, #tpu.memory_space<hbm>>
      tpu.wait_dma2 semaphore(%run_scoped3A_605 : memref<!tpu.dma_semaphore, #tpu.memory_space<semaphore_mem>>) src(%dma_wait3A_629 : memref<50x128xi32, #tpu.memory_space<hbm>>) dst(%dma_wait3A_627 : memref<50x128xi32, #tpu.memory_space<vmem>>)
      tpu.yield
    }) : () -> ()
    %add3A_11 = arith.constant 384 : i32
    %add3A_12 = arith.addi %mul3A_2, %add3A_11 : i32
    %run_scoped3A_13 = arith.constant 3 : i32
    "tpu.region"() ({
      %run_scoped3A_605 = tpu.sem_alloc : memref<!tpu.dma_semaphore, #tpu.memory_space<semaphore_mem>>
      %dma_start3A_606 = arith.constant 0 : i32
      %dma_start3A_607 = arith.constant 0 : i32
      %dma_start3A_608 = tpu.memref_slice %arg5[%run_scoped3A_13, %dma_start3A_606, %dma_start3A_607] : memref<4x50x128xi32, #tpu.memory_space<vmem>> -> memref<1x50x128xi32, #tpu.memory_space<vmem>>
      %dma_start3A_609 = tpu.memref_squeeze %dma_start3A_608 : memref<1x50x128xi32, #tpu.memory_space<vmem>> -> memref<50x128xi32, #tpu.memory_space<vmem>>
      %dma_start3A_610 = arith.constant 0 : i32
      %dma_start3A_611 = tpu.memref_slice %arg2[%dma_start3A_610, %add3A_12] : memref<50x16384xi32, #tpu.memory_space<hbm>> -> memref<50x128xi32, #tpu.memory_space<hbm>>
      %dma_start3A_612 = arith.constant 0 : i32
      %dma_start3A_613 = arith.constant 0 : i32
      %dma_start3A_614 = tpu.memref_slice %arg5[%run_scoped3A_13, %dma_start3A_612, %dma_start3A_613] : memref<4x50x128xi32, #tpu.memory_space<vmem>> -> memref<1x50x128xi32, #tpu.memory_space<vmem>>
      %dma_start3A_615 = tpu.memref_squeeze %dma_start3A_614 : memref<1x50x128xi32, #tpu.memory_space<vmem>> -> memref<50x128xi32, #tpu.memory_space<vmem>>
      %dma_start3A_616 = arith.constant 0 : i32
      %dma_start3A_617 = tpu.memref_slice %arg2[%dma_start3A_616, %add3A_12] : memref<50x16384xi32, #tpu.memory_space<hbm>> -> memref<50x128xi32, #tpu.memory_space<hbm>>
      tpu.enqueue_dma source(%dma_start3A_617 : memref<50x128xi32, #tpu.memory_space<hbm>>) target(%dma_start3A_615 : memref<50x128xi32, #tpu.memory_space<vmem>>) target_semaphore(%run_scoped3A_605 : memref<!tpu.dma_semaphore, #tpu.memory_space<semaphore_mem>>)
      %dma_wait3A_618 = arith.constant 0 : i32
      %dma_wait3A_619 = arith.constant 0 : i32
      %dma_wait3A_620 = tpu.memref_slice %arg5[%run_scoped3A_13, %dma_wait3A_618, %dma_wait3A_619] : memref<4x50x128xi32, #tpu.memory_space<vmem>> -> memref<1x50x128xi32, #tpu.memory_space<vmem>>
      %dma_wait3A_621 = tpu.memref_squeeze %dma_wait3A_620 : memref<1x50x128xi32, #tpu.memory_space<vmem>> -> memref<50x128xi32, #tpu.memory_space<vmem>>
      %dma_wait3A_622 = arith.constant 0 : i32
      %dma_wait3A_623 = tpu.memref_slice %arg2[%dma_wait3A_622, %add3A_12] : memref<50x16384xi32, #tpu.memory_space<hbm>> -> memref<50x128xi32, #tpu.memory_space<hbm>>
      %dma_wait3A_624 = arith.constant 0 : i32
      %dma_wait3A_625 = arith.constant 0 : i32
      %dma_wait3A_626 = tpu.memref_slice %arg5[%run_scoped3A_13, %dma_wait3A_624, %dma_wait3A_625] : memref<4x50x128xi32, #tpu.memory_space<vmem>> -> memref<1x50x128xi32, #tpu.memory_space<vmem>>
      %dma_wait3A_627 = tpu.memref_squeeze %dma_wait3A_626 : memref<1x50x128xi32, #tpu.memory_space<vmem>> -> memref<50x128xi32, #tpu.memory_space<vmem>>
      %dma_wait3A_628 = arith.constant 0 : i32
      %dma_wait3A_629 = tpu.memref_slice %arg2[%dma_wait3A_628, %add3A_12] : memref<50x16384xi32, #tpu.memory_space<hbm>> -> memref<50x128xi32, #tpu.memory_space<hbm>>
      tpu.wait_dma2 semaphore(%run_scoped3A_605 : memref<!tpu.dma_semaphore, #tpu.memory_space<semaphore_mem>>) src(%dma_wait3A_629 : memref<50x128xi32, #tpu.memory_space<hbm>>) dst(%dma_wait3A_627 : memref<50x128xi32, #tpu.memory_space<vmem>>)
      tpu.yield
    }) : () -> ()
    %dma_start3A = arith.constant 0 : i32
    %dma_start3A_14 = arith.constant 0 : i32
    %dma_start3A_15 = arith.constant 0 : i32
    %dma_start3A_16 = arith.constant 0 : i32
    %dma_start3A_17 = arith.constant 0 : i32
    %dma_start3A_18 = tpu.memref_slice %arg6[%dma_start3A_15, %dma_start3A_16, %dma_start3A_17] : memref<4x512x32xf32, #tpu.memory_space<vmem>> -> memref<1x128x32xf32, #tpu.memory_space<vmem>>
    %dma_start3A_19 = tpu.memref_squeeze %dma_start3A_18 : memref<1x128x32xf32, #tpu.memory_space<vmem>> -> memref<128x32xf32, #tpu.memory_space<vmem>>
    %dma_start3A_20 = arith.constant 0 : i32
    %dma_start3A_21 = tpu.memref_slice %arg5[%dma_start3A, %dma_start3A_14, %dma_start3A_20] : memref<4x50x128xi32, #tpu.memory_space<vmem>> -> memref<1x1x128xi32, #tpu.memory_space<vmem>>
    %dma_start3A_22 = tpu.memref_squeeze %dma_start3A_21 : memref<1x1x128xi32, #tpu.memory_space<vmem>> -> memref<128xi32, #tpu.memory_space<vmem>>
    %dma_start3A_23 = arith.constant 0 : i32
    %dma_start3A_24 = arith.constant 0 : i32
    %dma_start3A_25 = tpu.memref_slice %arg3[%dma_start3A_23, %dma_start3A_24] : memref<1000000x32xf32, #tpu.memory_space<hbm>> -> memref<1000000x32xf32, #tpu.memory_space<hbm>>
    tpu.enqueue_indirect_dma source(%dma_start3A_25 : memref<1000000x32xf32, #tpu.memory_space<hbm>>) target(%dma_start3A_19 : memref<128x32xf32, #tpu.memory_space<vmem>>) offsets(%dma_start3A_22 : memref<128xi32, #tpu.memory_space<vmem>>) semaphore(%arg7 : memref<!tpu.dma_semaphore, #tpu.memory_space<semaphore_mem>>)
    %dma_start3A_26 = arith.constant 1 : i32
    %dma_start3A_27 = arith.constant 0 : i32
    %dma_start3A_28 = arith.constant 0 : i32
    %dma_start3A_29 = arith.constant 128 : i32
    %dma_start3A_30 = arith.constant 0 : i32
    %dma_start3A_31 = tpu.memref_slice %arg6[%dma_start3A_28, %dma_start3A_29, %dma_start3A_30] : memref<4x512x32xf32, #tpu.memory_space<vmem>> -> memref<1x128x32xf32, #tpu.memory_space<vmem>>
    %dma_start3A_32 = tpu.memref_squeeze %dma_start3A_31 : memref<1x128x32xf32, #tpu.memory_space<vmem>> -> memref<128x32xf32, #tpu.memory_space<vmem>>
    %dma_start3A_33 = arith.constant 0 : i32
    %dma_start3A_34 = tpu.memref_slice %arg5[%dma_start3A_26, %dma_start3A_27, %dma_start3A_33] : memref<4x50x128xi32, #tpu.memory_space<vmem>> -> memref<1x1x128xi32, #tpu.memory_space<vmem>>
    %dma_start3A_35 = tpu.memref_squeeze %dma_start3A_34 : memref<1x1x128xi32, #tpu.memory_space<vmem>> -> memref<128xi32, #tpu.memory_space<vmem>>
    %dma_start3A_36 = arith.constant 0 : i32
    %dma_start3A_37 = arith.constant 0 : i32
    %dma_start3A_38 = tpu.memref_slice %arg3[%dma_start3A_36, %dma_start3A_37] : memref<1000000x32xf32, #tpu.memory_space<hbm>> -> memref<1000000x32xf32, #tpu.memory_space<hbm>>
    tpu.enqueue_indirect_dma source(%dma_start3A_38 : memref<1000000x32xf32, #tpu.memory_space<hbm>>) target(%dma_start3A_32 : memref<128x32xf32, #tpu.memory_space<vmem>>) offsets(%dma_start3A_35 : memref<128xi32, #tpu.memory_space<vmem>>) semaphore(%arg7 : memref<!tpu.dma_semaphore, #tpu.memory_space<semaphore_mem>>)
    %dma_start3A_39 = arith.constant 2 : i32
    %dma_start3A_40 = arith.constant 0 : i32
    %dma_start3A_41 = arith.constant 0 : i32
    %dma_start3A_42 = arith.constant 256 : i32
    %dma_start3A_43 = arith.constant 0 : i32
    %dma_start3A_44 = tpu.memref_slice %arg6[%dma_start3A_41, %dma_start3A_42, %dma_start3A_43] : memref<4x512x32xf32, #tpu.memory_space<vmem>> -> memref<1x128x32xf32, #tpu.memory_space<vmem>>
    %dma_start3A_45 = tpu.memref_squeeze %dma_start3A_44 : memref<1x128x32xf32, #tpu.memory_space<vmem>> -> memref<128x32xf32, #tpu.memory_space<vmem>>
    %dma_start3A_46 = arith.constant 0 : i32
    %dma_start3A_47 = tpu.memref_slice %arg5[%dma_start3A_39, %dma_start3A_40, %dma_start3A_46] : memref<4x50x128xi32, #tpu.memory_space<vmem>> -> memref<1x1x128xi32, #tpu.memory_space<vmem>>
    %dma_start3A_48 = tpu.memref_squeeze %dma_start3A_47 : memref<1x1x128xi32, #tpu.memory_space<vmem>> -> memref<128xi32, #tpu.memory_space<vmem>>
    %dma_start3A_49 = arith.constant 0 : i32
    %dma_start3A_50 = arith.constant 0 : i32
    %dma_start3A_51 = tpu.memref_slice %arg3[%dma_start3A_49, %dma_start3A_50] : memref<1000000x32xf32, #tpu.memory_space<hbm>> -> memref<1000000x32xf32, #tpu.memory_space<hbm>>
    tpu.enqueue_indirect_dma source(%dma_start3A_51 : memref<1000000x32xf32, #tpu.memory_space<hbm>>) target(%dma_start3A_45 : memref<128x32xf32, #tpu.memory_space<vmem>>) offsets(%dma_start3A_48 : memref<128xi32, #tpu.memory_space<vmem>>) semaphore(%arg7 : memref<!tpu.dma_semaphore, #tpu.memory_space<semaphore_mem>>)
    %dma_start3A_52 = arith.constant 3 : i32
    %dma_start3A_53 = arith.constant 0 : i32
    %dma_start3A_54 = arith.constant 0 : i32
    %dma_start3A_55 = arith.constant 384 : i32
    %dma_start3A_56 = arith.constant 0 : i32
    %dma_start3A_57 = tpu.memref_slice %arg6[%dma_start3A_54, %dma_start3A_55, %dma_start3A_56] : memref<4x512x32xf32, #tpu.memory_space<vmem>> -> memref<1x128x32xf32, #tpu.memory_space<vmem>>
    %dma_start3A_58 = tpu.memref_squeeze %dma_start3A_57 : memref<1x128x32xf32, #tpu.memory_space<vmem>> -> memref<128x32xf32, #tpu.memory_space<vmem>>
    %dma_start3A_59 = arith.constant 0 : i32
    %dma_start3A_60 = tpu.memref_slice %arg5[%dma_start3A_52, %dma_start3A_53, %dma_start3A_59] : memref<4x50x128xi32, #tpu.memory_space<vmem>> -> memref<1x1x128xi32, #tpu.memory_space<vmem>>
    %dma_start3A_61 = tpu.memref_squeeze %dma_start3A_60 : memref<1x1x128xi32, #tpu.memory_space<vmem>> -> memref<128xi32, #tpu.memory_space<vmem>>
    %dma_start3A_62 = arith.constant 0 : i32
    %dma_start3A_63 = arith.constant 0 : i32
    %dma_start3A_64 = tpu.memref_slice %arg3[%dma_start3A_62, %dma_start3A_63] : memref<1000000x32xf32, #tpu.memory_space<hbm>> -> memref<1000000x32xf32, #tpu.memory_space<hbm>>
    tpu.enqueue_indirect_dma source(%dma_start3A_64 : memref<1000000x32xf32, #tpu.memory_space<hbm>>) target(%dma_start3A_58 : memref<128x32xf32, #tpu.memory_space<vmem>>) offsets(%dma_start3A_61 : memref<128xi32, #tpu.memory_space<vmem>>) semaphore(%arg7 : memref<!tpu.dma_semaphore, #tpu.memory_space<semaphore_mem>>)
    %dma_start3A_65 = arith.constant 0 : i32
    %dma_start3A_66 = arith.constant 1 : i32
    %dma_start3A_67 = arith.constant 1 : i32
    %dma_start3A_68 = arith.constant 0 : i32
    %dma_start3A_69 = arith.constant 0 : i32
    %dma_start3A_70 = tpu.memref_slice %arg6[%dma_start3A_67, %dma_start3A_68, %dma_start3A_69] : memref<4x512x32xf32, #tpu.memory_space<vmem>> -> memref<1x128x32xf32, #tpu.memory_space<vmem>>
    %dma_start3A_71 = tpu.memref_squeeze %dma_start3A_70 : memref<1x128x32xf32, #tpu.memory_space<vmem>> -> memref<128x32xf32, #tpu.memory_space<vmem>>
    %dma_start3A_72 = arith.constant 0 : i32
    %dma_start3A_73 = tpu.memref_slice %arg5[%dma_start3A_65, %dma_start3A_66, %dma_start3A_72] : memref<4x50x128xi32, #tpu.memory_space<vmem>> -> memref<1x1x128xi32, #tpu.memory_space<vmem>>
    %dma_start3A_74 = tpu.memref_squeeze %dma_start3A_73 : memref<1x1x128xi32, #tpu.memory_space<vmem>> -> memref<128xi32, #tpu.memory_space<vmem>>
    %dma_start3A_75 = arith.constant 0 : i32
    %dma_start3A_76 = arith.constant 0 : i32
    %dma_start3A_77 = tpu.memref_slice %arg3[%dma_start3A_75, %dma_start3A_76] : memref<1000000x32xf32, #tpu.memory_space<hbm>> -> memref<1000000x32xf32, #tpu.memory_space<hbm>>
    tpu.enqueue_indirect_dma source(%dma_start3A_77 : memref<1000000x32xf32, #tpu.memory_space<hbm>>) target(%dma_start3A_71 : memref<128x32xf32, #tpu.memory_space<vmem>>) offsets(%dma_start3A_74 : memref<128xi32, #tpu.memory_space<vmem>>) semaphore(%arg8 : memref<!tpu.dma_semaphore, #tpu.memory_space<semaphore_mem>>)
    %dma_start3A_78 = arith.constant 1 : i32
    %dma_start3A_79 = arith.constant 1 : i32
    %dma_start3A_80 = arith.constant 1 : i32
    %dma_start3A_81 = arith.constant 128 : i32
    %dma_start3A_82 = arith.constant 0 : i32
    %dma_start3A_83 = tpu.memref_slice %arg6[%dma_start3A_80, %dma_start3A_81, %dma_start3A_82] : memref<4x512x32xf32, #tpu.memory_space<vmem>> -> memref<1x128x32xf32, #tpu.memory_space<vmem>>
    %dma_start3A_84 = tpu.memref_squeeze %dma_start3A_83 : memref<1x128x32xf32, #tpu.memory_space<vmem>> -> memref<128x32xf32, #tpu.memory_space<vmem>>
    %dma_start3A_85 = arith.constant 0 : i32
    %dma_start3A_86 = tpu.memref_slice %arg5[%dma_start3A_78, %dma_start3A_79, %dma_start3A_85] : memref<4x50x128xi32, #tpu.memory_space<vmem>> -> memref<1x1x128xi32, #tpu.memory_space<vmem>>
    %dma_start3A_87 = tpu.memref_squeeze %dma_start3A_86 : memref<1x1x128xi32, #tpu.memory_space<vmem>> -> memref<128xi32, #tpu.memory_space<vmem>>
    %dma_start3A_88 = arith.constant 0 : i32
    %dma_start3A_89 = arith.constant 0 : i32
    %dma_start3A_90 = tpu.memref_slice %arg3[%dma_start3A_88, %dma_start3A_89] : memref<1000000x32xf32, #tpu.memory_space<hbm>> -> memref<1000000x32xf32, #tpu.memory_space<hbm>>
    tpu.enqueue_indirect_dma source(%dma_start3A_90 : memref<1000000x32xf32, #tpu.memory_space<hbm>>) target(%dma_start3A_84 : memref<128x32xf32, #tpu.memory_space<vmem>>) offsets(%dma_start3A_87 : memref<128xi32, #tpu.memory_space<vmem>>) semaphore(%arg8 : memref<!tpu.dma_semaphore, #tpu.memory_space<semaphore_mem>>)
    %dma_start3A_91 = arith.constant 2 : i32
    %dma_start3A_92 = arith.constant 1 : i32
    %dma_start3A_93 = arith.constant 1 : i32
    %dma_start3A_94 = arith.constant 256 : i32
    %dma_start3A_95 = arith.constant 0 : i32
    %dma_start3A_96 = tpu.memref_slice %arg6[%dma_start3A_93, %dma_start3A_94, %dma_start3A_95] : memref<4x512x32xf32, #tpu.memory_space<vmem>> -> memref<1x128x32xf32, #tpu.memory_space<vmem>>
    %dma_start3A_97 = tpu.memref_squeeze %dma_start3A_96 : memref<1x128x32xf32, #tpu.memory_space<vmem>> -> memref<128x32xf32, #tpu.memory_space<vmem>>
    %dma_start3A_98 = arith.constant 0 : i32
    %dma_start3A_99 = tpu.memref_slice %arg5[%dma_start3A_91, %dma_start3A_92, %dma_start3A_98] : memref<4x50x128xi32, #tpu.memory_space<vmem>> -> memref<1x1x128xi32, #tpu.memory_space<vmem>>
    %dma_start3A_100 = tpu.memref_squeeze %dma_start3A_99 : memref<1x1x128xi32, #tpu.memory_space<vmem>> -> memref<128xi32, #tpu.memory_space<vmem>>
    %dma_start3A_101 = arith.constant 0 : i32
    %dma_start3A_102 = arith.constant 0 : i32
    %dma_start3A_103 = tpu.memref_slice %arg3[%dma_start3A_101, %dma_start3A_102] : memref<1000000x32xf32, #tpu.memory_space<hbm>> -> memref<1000000x32xf32, #tpu.memory_space<hbm>>
    tpu.enqueue_indirect_dma source(%dma_start3A_103 : memref<1000000x32xf32, #tpu.memory_space<hbm>>) target(%dma_start3A_97 : memref<128x32xf32, #tpu.memory_space<vmem>>) offsets(%dma_start3A_100 : memref<128xi32, #tpu.memory_space<vmem>>) semaphore(%arg8 : memref<!tpu.dma_semaphore, #tpu.memory_space<semaphore_mem>>)
    %dma_start3A_104 = arith.constant 3 : i32
    %dma_start3A_105 = arith.constant 1 : i32
    %dma_start3A_106 = arith.constant 1 : i32
    %dma_start3A_107 = arith.constant 384 : i32
    %dma_start3A_108 = arith.constant 0 : i32
    %dma_start3A_109 = tpu.memref_slice %arg6[%dma_start3A_106, %dma_start3A_107, %dma_start3A_108] : memref<4x512x32xf32, #tpu.memory_space<vmem>> -> memref<1x128x32xf32, #tpu.memory_space<vmem>>
    %dma_start3A_110 = tpu.memref_squeeze %dma_start3A_109 : memref<1x128x32xf32, #tpu.memory_space<vmem>> -> memref<128x32xf32, #tpu.memory_space<vmem>>
    %dma_start3A_111 = arith.constant 0 : i32
    %dma_start3A_112 = tpu.memref_slice %arg5[%dma_start3A_104, %dma_start3A_105, %dma_start3A_111] : memref<4x50x128xi32, #tpu.memory_space<vmem>> -> memref<1x1x128xi32, #tpu.memory_space<vmem>>
    %dma_start3A_113 = tpu.memref_squeeze %dma_start3A_112 : memref<1x1x128xi32, #tpu.memory_space<vmem>> -> memref<128xi32, #tpu.memory_space<vmem>>
    %dma_start3A_114 = arith.constant 0 : i32
    %dma_start3A_115 = arith.constant 0 : i32
    %dma_start3A_116 = tpu.memref_slice %arg3[%dma_start3A_114, %dma_start3A_115] : memref<1000000x32xf32, #tpu.memory_space<hbm>> -> memref<1000000x32xf32, #tpu.memory_space<hbm>>
    tpu.enqueue_indirect_dma source(%dma_start3A_116 : memref<1000000x32xf32, #tpu.memory_space<hbm>>) target(%dma_start3A_110 : memref<128x32xf32, #tpu.memory_space<vmem>>) offsets(%dma_start3A_113 : memref<128xi32, #tpu.memory_space<vmem>>) semaphore(%arg8 : memref<!tpu.dma_semaphore, #tpu.memory_space<semaphore_mem>>)
    %dma_start3A_117 = arith.constant 0 : i32
    %dma_start3A_118 = arith.constant 2 : i32
    %dma_start3A_119 = arith.constant 2 : i32
    %dma_start3A_120 = arith.constant 0 : i32
    %dma_start3A_121 = arith.constant 0 : i32
    %dma_start3A_122 = tpu.memref_slice %arg6[%dma_start3A_119, %dma_start3A_120, %dma_start3A_121] : memref<4x512x32xf32, #tpu.memory_space<vmem>> -> memref<1x128x32xf32, #tpu.memory_space<vmem>>
    %dma_start3A_123 = tpu.memref_squeeze %dma_start3A_122 : memref<1x128x32xf32, #tpu.memory_space<vmem>> -> memref<128x32xf32, #tpu.memory_space<vmem>>
    %dma_start3A_124 = arith.constant 0 : i32
    %dma_start3A_125 = tpu.memref_slice %arg5[%dma_start3A_117, %dma_start3A_118, %dma_start3A_124] : memref<4x50x128xi32, #tpu.memory_space<vmem>> -> memref<1x1x128xi32, #tpu.memory_space<vmem>>
    %dma_start3A_126 = tpu.memref_squeeze %dma_start3A_125 : memref<1x1x128xi32, #tpu.memory_space<vmem>> -> memref<128xi32, #tpu.memory_space<vmem>>
    %dma_start3A_127 = arith.constant 0 : i32
    %dma_start3A_128 = arith.constant 0 : i32
    %dma_start3A_129 = tpu.memref_slice %arg3[%dma_start3A_127, %dma_start3A_128] : memref<1000000x32xf32, #tpu.memory_space<hbm>> -> memref<1000000x32xf32, #tpu.memory_space<hbm>>
    tpu.enqueue_indirect_dma source(%dma_start3A_129 : memref<1000000x32xf32, #tpu.memory_space<hbm>>) target(%dma_start3A_123 : memref<128x32xf32, #tpu.memory_space<vmem>>) offsets(%dma_start3A_126 : memref<128xi32, #tpu.memory_space<vmem>>) semaphore(%arg9 : memref<!tpu.dma_semaphore, #tpu.memory_space<semaphore_mem>>)
    %dma_start3A_130 = arith.constant 1 : i32
    %dma_start3A_131 = arith.constant 2 : i32
    %dma_start3A_132 = arith.constant 2 : i32
    %dma_start3A_133 = arith.constant 128 : i32
    %dma_start3A_134 = arith.constant 0 : i32
    %dma_start3A_135 = tpu.memref_slice %arg6[%dma_start3A_132, %dma_start3A_133, %dma_start3A_134] : memref<4x512x32xf32, #tpu.memory_space<vmem>> -> memref<1x128x32xf32, #tpu.memory_space<vmem>>
    %dma_start3A_136 = tpu.memref_squeeze %dma_start3A_135 : memref<1x128x32xf32, #tpu.memory_space<vmem>> -> memref<128x32xf32, #tpu.memory_space<vmem>>
    %dma_start3A_137 = arith.constant 0 : i32
    %dma_start3A_138 = tpu.memref_slice %arg5[%dma_start3A_130, %dma_start3A_131, %dma_start3A_137] : memref<4x50x128xi32, #tpu.memory_space<vmem>> -> memref<1x1x128xi32, #tpu.memory_space<vmem>>
    %dma_start3A_139 = tpu.memref_squeeze %dma_start3A_138 : memref<1x1x128xi32, #tpu.memory_space<vmem>> -> memref<128xi32, #tpu.memory_space<vmem>>
    %dma_start3A_140 = arith.constant 0 : i32
    %dma_start3A_141 = arith.constant 0 : i32
    %dma_start3A_142 = tpu.memref_slice %arg3[%dma_start3A_140, %dma_start3A_141] : memref<1000000x32xf32, #tpu.memory_space<hbm>> -> memref<1000000x32xf32, #tpu.memory_space<hbm>>
    tpu.enqueue_indirect_dma source(%dma_start3A_142 : memref<1000000x32xf32, #tpu.memory_space<hbm>>) target(%dma_start3A_136 : memref<128x32xf32, #tpu.memory_space<vmem>>) offsets(%dma_start3A_139 : memref<128xi32, #tpu.memory_space<vmem>>) semaphore(%arg9 : memref<!tpu.dma_semaphore, #tpu.memory_space<semaphore_mem>>)
    %dma_start3A_143 = arith.constant 2 : i32
    %dma_start3A_144 = arith.constant 2 : i32
    %dma_start3A_145 = arith.constant 2 : i32
    %dma_start3A_146 = arith.constant 256 : i32
    %dma_start3A_147 = arith.constant 0 : i32
    %dma_start3A_148 = tpu.memref_slice %arg6[%dma_start3A_145, %dma_start3A_146, %dma_start3A_147] : memref<4x512x32xf32, #tpu.memory_space<vmem>> -> memref<1x128x32xf32, #tpu.memory_space<vmem>>
    %dma_start3A_149 = tpu.memref_squeeze %dma_start3A_148 : memref<1x128x32xf32, #tpu.memory_space<vmem>> -> memref<128x32xf32, #tpu.memory_space<vmem>>
    %dma_start3A_150 = arith.constant 0 : i32
    %dma_start3A_151 = tpu.memref_slice %arg5[%dma_start3A_143, %dma_start3A_144, %dma_start3A_150] : memref<4x50x128xi32, #tpu.memory_space<vmem>> -> memref<1x1x128xi32, #tpu.memory_space<vmem>>
    %dma_start3A_152 = tpu.memref_squeeze %dma_start3A_151 : memref<1x1x128xi32, #tpu.memory_space<vmem>> -> memref<128xi32, #tpu.memory_space<vmem>>
    %dma_start3A_153 = arith.constant 0 : i32
    %dma_start3A_154 = arith.constant 0 : i32
    %dma_start3A_155 = tpu.memref_slice %arg3[%dma_start3A_153, %dma_start3A_154] : memref<1000000x32xf32, #tpu.memory_space<hbm>> -> memref<1000000x32xf32, #tpu.memory_space<hbm>>
    tpu.enqueue_indirect_dma source(%dma_start3A_155 : memref<1000000x32xf32, #tpu.memory_space<hbm>>) target(%dma_start3A_149 : memref<128x32xf32, #tpu.memory_space<vmem>>) offsets(%dma_start3A_152 : memref<128xi32, #tpu.memory_space<vmem>>) semaphore(%arg9 : memref<!tpu.dma_semaphore, #tpu.memory_space<semaphore_mem>>)
    %dma_start3A_156 = arith.constant 3 : i32
    %dma_start3A_157 = arith.constant 2 : i32
    %dma_start3A_158 = arith.constant 2 : i32
    %dma_start3A_159 = arith.constant 384 : i32
    %dma_start3A_160 = arith.constant 0 : i32
    %dma_start3A_161 = tpu.memref_slice %arg6[%dma_start3A_158, %dma_start3A_159, %dma_start3A_160] : memref<4x512x32xf32, #tpu.memory_space<vmem>> -> memref<1x128x32xf32, #tpu.memory_space<vmem>>
    %dma_start3A_162 = tpu.memref_squeeze %dma_start3A_161 : memref<1x128x32xf32, #tpu.memory_space<vmem>> -> memref<128x32xf32, #tpu.memory_space<vmem>>
    %dma_start3A_163 = arith.constant 0 : i32
    %dma_start3A_164 = tpu.memref_slice %arg5[%dma_start3A_156, %dma_start3A_157, %dma_start3A_163] : memref<4x50x128xi32, #tpu.memory_space<vmem>> -> memref<1x1x128xi32, #tpu.memory_space<vmem>>
    %dma_start3A_165 = tpu.memref_squeeze %dma_start3A_164 : memref<1x1x128xi32, #tpu.memory_space<vmem>> -> memref<128xi32, #tpu.memory_space<vmem>>
    %dma_start3A_166 = arith.constant 0 : i32
    %dma_start3A_167 = arith.constant 0 : i32
    %dma_start3A_168 = tpu.memref_slice %arg3[%dma_start3A_166, %dma_start3A_167] : memref<1000000x32xf32, #tpu.memory_space<hbm>> -> memref<1000000x32xf32, #tpu.memory_space<hbm>>
    tpu.enqueue_indirect_dma source(%dma_start3A_168 : memref<1000000x32xf32, #tpu.memory_space<hbm>>) target(%dma_start3A_162 : memref<128x32xf32, #tpu.memory_space<vmem>>) offsets(%dma_start3A_165 : memref<128xi32, #tpu.memory_space<vmem>>) semaphore(%arg9 : memref<!tpu.dma_semaphore, #tpu.memory_space<semaphore_mem>>)
    %dma_wait3A = arith.constant 0 : i32
    %dma_wait3A_169 = arith.constant 0 : i32
    %dma_wait3A_170 = arith.constant 0 : i32
    %dma_wait3A_171 = tpu.memref_slice %arg6[%dma_wait3A, %dma_wait3A_169, %dma_wait3A_170] : memref<4x512x32xf32, #tpu.memory_space<vmem>> -> memref<1x512x32xf32, #tpu.memory_space<vmem>>
    %dma_wait3A_172 = tpu.memref_squeeze %dma_wait3A_171 : memref<1x512x32xf32, #tpu.memory_space<vmem>> -> memref<512x32xf32, #tpu.memory_space<vmem>>
    %dma_wait3A_173 = arith.constant 0 : i32
    %dma_wait3A_174 = arith.constant 0 : i32
    %dma_wait3A_175 = tpu.memref_slice %arg3[%dma_wait3A_173, %dma_wait3A_174] : memref<1000000x32xf32, #tpu.memory_space<hbm>> -> memref<512x32xf32, #tpu.memory_space<hbm>>
    %dma_wait3A_176 = arith.constant 0 : i32
    %dma_wait3A_177 = arith.constant 0 : i32
    %dma_wait3A_178 = tpu.memref_slice %arg6[%dma_wait3A, %dma_wait3A_176, %dma_wait3A_177] : memref<4x512x32xf32, #tpu.memory_space<vmem>> -> memref<1x512x32xf32, #tpu.memory_space<vmem>>
    %dma_wait3A_179 = tpu.memref_squeeze %dma_wait3A_178 : memref<1x512x32xf32, #tpu.memory_space<vmem>> -> memref<512x32xf32, #tpu.memory_space<vmem>>
    %dma_wait3A_180 = arith.constant 0 : i32
    %dma_wait3A_181 = arith.constant 0 : i32
    %dma_wait3A_182 = tpu.memref_slice %arg3[%dma_wait3A_180, %dma_wait3A_181] : memref<1000000x32xf32, #tpu.memory_space<hbm>> -> memref<512x32xf32, #tpu.memory_space<hbm>>
    tpu.wait_dma2 semaphore(%arg7 : memref<!tpu.dma_semaphore, #tpu.memory_space<semaphore_mem>>) src(%dma_wait3A_182 : memref<512x32xf32, #tpu.memory_space<hbm>>) dst(%dma_wait3A_179 : memref<512x32xf32, #tpu.memory_space<vmem>>)
    %dma_start3A_183 = arith.constant 0 : i32
    %dma_start3A_184 = arith.constant 0 : i32
    %dma_start3A_185 = arith.constant 0 : i32
    %dma_start3A_186 = arith.constant 0 : i32
    %dma_start3A_187 = tpu.memref_slice %arg6[%dma_start3A_183, %dma_start3A_185, %dma_start3A_186] : memref<4x512x32xf32, #tpu.memory_space<vmem>> -> memref<1x512x32xf32, #tpu.memory_space<vmem>>
    %dma_start3A_188 = tpu.memref_squeeze %dma_start3A_187 : memref<1x512x32xf32, #tpu.memory_space<vmem>> -> memref<512x32xf32, #tpu.memory_space<vmem>>
    %dma_start3A_189 = arith.constant 0 : i32
    %dma_start3A_190 = tpu.memref_slice %arg4[%dma_start3A_184, %mul3A_2, %dma_start3A_189] : memref<50x16384x32xf32, #tpu.memory_space<hbm>> -> memref<1x512x32xf32, #tpu.memory_space<hbm>>
    %dma_start3A_191 = tpu.memref_squeeze %dma_start3A_190 : memref<1x512x32xf32, #tpu.memory_space<hbm>> -> memref<512x32xf32, #tpu.memory_space<hbm>>
    %dma_start3A_192 = arith.constant 0 : i32
    %dma_start3A_193 = tpu.memref_slice %arg4[%dma_start3A_184, %mul3A_2, %dma_start3A_192] : memref<50x16384x32xf32, #tpu.memory_space<hbm>> -> memref<1x512x32xf32, #tpu.memory_space<hbm>>
    %dma_start3A_194 = tpu.memref_squeeze %dma_start3A_193 : memref<1x512x32xf32, #tpu.memory_space<hbm>> -> memref<512x32xf32, #tpu.memory_space<hbm>>
    %dma_start3A_195 = arith.constant 0 : i32
    %dma_start3A_196 = arith.constant 0 : i32
    %dma_start3A_197 = tpu.memref_slice %arg6[%dma_start3A_183, %dma_start3A_195, %dma_start3A_196] : memref<4x512x32xf32, #tpu.memory_space<vmem>> -> memref<1x512x32xf32, #tpu.memory_space<vmem>>
    %dma_start3A_198 = tpu.memref_squeeze %dma_start3A_197 : memref<1x512x32xf32, #tpu.memory_space<vmem>> -> memref<512x32xf32, #tpu.memory_space<vmem>>
    tpu.enqueue_dma source(%dma_start3A_198 : memref<512x32xf32, #tpu.memory_space<vmem>>) target(%dma_start3A_194 : memref<512x32xf32, #tpu.memory_space<hbm>>) target_semaphore(%arg11 : memref<!tpu.dma_semaphore, #tpu.memory_space<semaphore_mem>>)
    %dma_start3A_199 = arith.constant 0 : i32
    %dma_start3A_200 = arith.constant 3 : i32
    %dma_start3A_201 = arith.constant 3 : i32
    %dma_start3A_202 = arith.constant 0 : i32
    %dma_start3A_203 = arith.constant 0 : i32
    %dma_start3A_204 = tpu.memref_slice %arg6[%dma_start3A_201, %dma_start3A_202, %dma_start3A_203] : memref<4x512x32xf32, #tpu.memory_space<vmem>> -> memref<1x128x32xf32, #tpu.memory_space<vmem>>
    %dma_start3A_205 = tpu.memref_squeeze %dma_start3A_204 : memref<1x128x32xf32, #tpu.memory_space<vmem>> -> memref<128x32xf32, #tpu.memory_space<vmem>>
    %dma_start3A_206 = arith.constant 0 : i32
    %dma_start3A_207 = tpu.memref_slice %arg5[%dma_start3A_199, %dma_start3A_200, %dma_start3A_206] : memref<4x50x128xi32, #tpu.memory_space<vmem>> -> memref<1x1x128xi32, #tpu.memory_space<vmem>>
    %dma_start3A_208 = tpu.memref_squeeze %dma_start3A_207 : memref<1x1x128xi32, #tpu.memory_space<vmem>> -> memref<128xi32, #tpu.memory_space<vmem>>
    %dma_start3A_209 = arith.constant 0 : i32
    %dma_start3A_210 = arith.constant 0 : i32
    %dma_start3A_211 = tpu.memref_slice %arg3[%dma_start3A_209, %dma_start3A_210] : memref<1000000x32xf32, #tpu.memory_space<hbm>> -> memref<1000000x32xf32, #tpu.memory_space<hbm>>
    tpu.enqueue_indirect_dma source(%dma_start3A_211 : memref<1000000x32xf32, #tpu.memory_space<hbm>>) target(%dma_start3A_205 : memref<128x32xf32, #tpu.memory_space<vmem>>) offsets(%dma_start3A_208 : memref<128xi32, #tpu.memory_space<vmem>>) semaphore(%arg10 : memref<!tpu.dma_semaphore, #tpu.memory_space<semaphore_mem>>)
    %dma_start3A_212 = arith.constant 1 : i32
    %dma_start3A_213 = arith.constant 3 : i32
    %dma_start3A_214 = arith.constant 3 : i32
    %dma_start3A_215 = arith.constant 128 : i32
    %dma_start3A_216 = arith.constant 0 : i32
    %dma_start3A_217 = tpu.memref_slice %arg6[%dma_start3A_214, %dma_start3A_215, %dma_start3A_216] : memref<4x512x32xf32, #tpu.memory_space<vmem>> -> memref<1x128x32xf32, #tpu.memory_space<vmem>>
    %dma_start3A_218 = tpu.memref_squeeze %dma_start3A_217 : memref<1x128x32xf32, #tpu.memory_space<vmem>> -> memref<128x32xf32, #tpu.memory_space<vmem>>
    %dma_start3A_219 = arith.constant 0 : i32
    %dma_start3A_220 = tpu.memref_slice %arg5[%dma_start3A_212, %dma_start3A_213, %dma_start3A_219] : memref<4x50x128xi32, #tpu.memory_space<vmem>> -> memref<1x1x128xi32, #tpu.memory_space<vmem>>
    %dma_start3A_221 = tpu.memref_squeeze %dma_start3A_220 : memref<1x1x128xi32, #tpu.memory_space<vmem>> -> memref<128xi32, #tpu.memory_space<vmem>>
    %dma_start3A_222 = arith.constant 0 : i32
    %dma_start3A_223 = arith.constant 0 : i32
    %dma_start3A_224 = tpu.memref_slice %arg3[%dma_start3A_222, %dma_start3A_223] : memref<1000000x32xf32, #tpu.memory_space<hbm>> -> memref<1000000x32xf32, #tpu.memory_space<hbm>>
    tpu.enqueue_indirect_dma source(%dma_start3A_224 : memref<1000000x32xf32, #tpu.memory_space<hbm>>) target(%dma_start3A_218 : memref<128x32xf32, #tpu.memory_space<vmem>>) offsets(%dma_start3A_221 : memref<128xi32, #tpu.memory_space<vmem>>) semaphore(%arg10 : memref<!tpu.dma_semaphore, #tpu.memory_space<semaphore_mem>>)
    %dma_start3A_225 = arith.constant 2 : i32
    %dma_start3A_226 = arith.constant 3 : i32
    %dma_start3A_227 = arith.constant 3 : i32
    %dma_start3A_228 = arith.constant 256 : i32
    %dma_start3A_229 = arith.constant 0 : i32
    %dma_start3A_230 = tpu.memref_slice %arg6[%dma_start3A_227, %dma_start3A_228, %dma_start3A_229] : memref<4x512x32xf32, #tpu.memory_space<vmem>> -> memref<1x128x32xf32, #tpu.memory_space<vmem>>
    %dma_start3A_231 = tpu.memref_squeeze %dma_start3A_230 : memref<1x128x32xf32, #tpu.memory_space<vmem>> -> memref<128x32xf32, #tpu.memory_space<vmem>>
    %dma_start3A_232 = arith.constant 0 : i32
    %dma_start3A_233 = tpu.memref_slice %arg5[%dma_start3A_225, %dma_start3A_226, %dma_start3A_232] : memref<4x50x128xi32, #tpu.memory_space<vmem>> -> memref<1x1x128xi32, #tpu.memory_space<vmem>>
    %dma_start3A_234 = tpu.memref_squeeze %dma_start3A_233 : memref<1x1x128xi32, #tpu.memory_space<vmem>> -> memref<128xi32, #tpu.memory_space<vmem>>
    %dma_start3A_235 = arith.constant 0 : i32
    %dma_start3A_236 = arith.constant 0 : i32
    %dma_start3A_237 = tpu.memref_slice %arg3[%dma_start3A_235, %dma_start3A_236] : memref<1000000x32xf32, #tpu.memory_space<hbm>> -> memref<1000000x32xf32, #tpu.memory_space<hbm>>
    tpu.enqueue_indirect_dma source(%dma_start3A_237 : memref<1000000x32xf32, #tpu.memory_space<hbm>>) target(%dma_start3A_231 : memref<128x32xf32, #tpu.memory_space<vmem>>) offsets(%dma_start3A_234 : memref<128xi32, #tpu.memory_space<vmem>>) semaphore(%arg10 : memref<!tpu.dma_semaphore, #tpu.memory_space<semaphore_mem>>)
    %dma_start3A_238 = arith.constant 3 : i32
    %dma_start3A_239 = arith.constant 3 : i32
    %dma_start3A_240 = arith.constant 3 : i32
    %dma_start3A_241 = arith.constant 384 : i32
    %dma_start3A_242 = arith.constant 0 : i32
    %dma_start3A_243 = tpu.memref_slice %arg6[%dma_start3A_240, %dma_start3A_241, %dma_start3A_242] : memref<4x512x32xf32, #tpu.memory_space<vmem>> -> memref<1x128x32xf32, #tpu.memory_space<vmem>>
    %dma_start3A_244 = tpu.memref_squeeze %dma_start3A_243 : memref<1x128x32xf32, #tpu.memory_space<vmem>> -> memref<128x32xf32, #tpu.memory_space<vmem>>
    %dma_start3A_245 = arith.constant 0 : i32
    %dma_start3A_246 = tpu.memref_slice %arg5[%dma_start3A_238, %dma_start3A_239, %dma_start3A_245] : memref<4x50x128xi32, #tpu.memory_space<vmem>> -> memref<1x1x128xi32, #tpu.memory_space<vmem>>
    %dma_start3A_247 = tpu.memref_squeeze %dma_start3A_246 : memref<1x1x128xi32, #tpu.memory_space<vmem>> -> memref<128xi32, #tpu.memory_space<vmem>>
    %dma_start3A_248 = arith.constant 0 : i32
    %dma_start3A_249 = arith.constant 0 : i32
    %dma_start3A_250 = tpu.memref_slice %arg3[%dma_start3A_248, %dma_start3A_249] : memref<1000000x32xf32, #tpu.memory_space<hbm>> -> memref<1000000x32xf32, #tpu.memory_space<hbm>>
    tpu.enqueue_indirect_dma source(%dma_start3A_250 : memref<1000000x32xf32, #tpu.memory_space<hbm>>) target(%dma_start3A_244 : memref<128x32xf32, #tpu.memory_space<vmem>>) offsets(%dma_start3A_247 : memref<128xi32, #tpu.memory_space<vmem>>) semaphore(%arg10 : memref<!tpu.dma_semaphore, #tpu.memory_space<semaphore_mem>>)
    %dma_wait3A_251 = arith.constant 1 : i32
    %dma_wait3A_252 = arith.constant 0 : i32
    %dma_wait3A_253 = arith.constant 0 : i32
    %dma_wait3A_254 = tpu.memref_slice %arg6[%dma_wait3A_251, %dma_wait3A_252, %dma_wait3A_253] : memref<4x512x32xf32, #tpu.memory_space<vmem>> -> memref<1x512x32xf32, #tpu.memory_space<vmem>>
    %dma_wait3A_255 = tpu.memref_squeeze %dma_wait3A_254 : memref<1x512x32xf32, #tpu.memory_space<vmem>> -> memref<512x32xf32, #tpu.memory_space<vmem>>
    %dma_wait3A_256 = arith.constant 0 : i32
    %dma_wait3A_257 = arith.constant 0 : i32
    %dma_wait3A_258 = tpu.memref_slice %arg3[%dma_wait3A_256, %dma_wait3A_257] : memref<1000000x32xf32, #tpu.memory_space<hbm>> -> memref<512x32xf32, #tpu.memory_space<hbm>>
    %dma_wait3A_259 = arith.constant 0 : i32
    %dma_wait3A_260 = arith.constant 0 : i32
    %dma_wait3A_261 = tpu.memref_slice %arg6[%dma_wait3A_251, %dma_wait3A_259, %dma_wait3A_260] : memref<4x512x32xf32, #tpu.memory_space<vmem>> -> memref<1x512x32xf32, #tpu.memory_space<vmem>>
    %dma_wait3A_262 = tpu.memref_squeeze %dma_wait3A_261 : memref<1x512x32xf32, #tpu.memory_space<vmem>> -> memref<512x32xf32, #tpu.memory_space<vmem>>
    %dma_wait3A_263 = arith.constant 0 : i32
    %dma_wait3A_264 = arith.constant 0 : i32
    %dma_wait3A_265 = tpu.memref_slice %arg3[%dma_wait3A_263, %dma_wait3A_264] : memref<1000000x32xf32, #tpu.memory_space<hbm>> -> memref<512x32xf32, #tpu.memory_space<hbm>>
    tpu.wait_dma2 semaphore(%arg8 : memref<!tpu.dma_semaphore, #tpu.memory_space<semaphore_mem>>) src(%dma_wait3A_265 : memref<512x32xf32, #tpu.memory_space<hbm>>) dst(%dma_wait3A_262 : memref<512x32xf32, #tpu.memory_space<vmem>>)
    %dma_start3A_266 = arith.constant 1 : i32
    %dma_start3A_267 = arith.constant 1 : i32
    %dma_start3A_268 = arith.constant 0 : i32
    %dma_start3A_269 = arith.constant 0 : i32
    %dma_start3A_270 = tpu.memref_slice %arg6[%dma_start3A_266, %dma_start3A_268, %dma_start3A_269] : memref<4x512x32xf32, #tpu.memory_space<vmem>> -> memref<1x512x32xf32, #tpu.memory_space<vmem>>
    %dma_start3A_271 = tpu.memref_squeeze %dma_start3A_270 : memref<1x512x32xf32, #tpu.memory_space<vmem>> -> memref<512x32xf32, #tpu.memory_space<vmem>>
    %dma_start3A_272 = arith.constant 0 : i32
    %dma_start3A_273 = tpu.memref_slice %arg4[%dma_start3A_267, %mul3A_2, %dma_start3A_272] : memref<50x16384x32xf32, #tpu.memory_space<hbm>> -> memref<1x512x32xf32, #tpu.memory_space<hbm>>
    %dma_start3A_274 = tpu.memref_squeeze %dma_start3A_273 : memref<1x512x32xf32, #tpu.memory_space<hbm>> -> memref<512x32xf32, #tpu.memory_space<hbm>>
    %dma_start3A_275 = arith.constant 0 : i32
    %dma_start3A_276 = tpu.memref_slice %arg4[%dma_start3A_267, %mul3A_2, %dma_start3A_275] : memref<50x16384x32xf32, #tpu.memory_space<hbm>> -> memref<1x512x32xf32, #tpu.memory_space<hbm>>
    %dma_start3A_277 = tpu.memref_squeeze %dma_start3A_276 : memref<1x512x32xf32, #tpu.memory_space<hbm>> -> memref<512x32xf32, #tpu.memory_space<hbm>>
    %dma_start3A_278 = arith.constant 0 : i32
    %dma_start3A_279 = arith.constant 0 : i32
    %dma_start3A_280 = tpu.memref_slice %arg6[%dma_start3A_266, %dma_start3A_278, %dma_start3A_279] : memref<4x512x32xf32, #tpu.memory_space<vmem>> -> memref<1x512x32xf32, #tpu.memory_space<vmem>>
    %dma_start3A_281 = tpu.memref_squeeze %dma_start3A_280 : memref<1x512x32xf32, #tpu.memory_space<vmem>> -> memref<512x32xf32, #tpu.memory_space<vmem>>
    tpu.enqueue_dma source(%dma_start3A_281 : memref<512x32xf32, #tpu.memory_space<vmem>>) target(%dma_start3A_277 : memref<512x32xf32, #tpu.memory_space<hbm>>) target_semaphore(%arg12 : memref<!tpu.dma_semaphore, #tpu.memory_space<semaphore_mem>>)
    %scan3A = arith.constant 0 : i32
    %scan3A_282 = arith.constant 0 : i32
    %scan3A_283 = arith.constant 11 : i32
    %scan3A_284 = arith.addi %scan3A_282, %scan3A_283 : i32
    %scan3A_285 = arith.constant 1 : i32
    scf.for %scan3A_605 = %scan3A_282 to %scan3A_284 step %scan3A_285  : i32 {
      %mul3A_606 = arith.constant 4 : i32
      %mul3A_607 = arith.muli %mul3A_606, %scan3A_605 : i32
      %add3A_608 = arith.constant 2 : i32
      %add3A_609 = arith.addi %mul3A_607, %add3A_608 : i32
      %add3A_610 = arith.constant 0 : i32
      %add3A_611 = arith.addi %add3A_609, %add3A_610 : i32
      %dma_wait3A_612 = arith.constant 0 : i32
      %dma_wait3A_613 = arith.constant 0 : i32
      %dma_wait3A_614 = arith.constant 0 : i32
      %dma_wait3A_615 = tpu.memref_slice %arg6[%dma_wait3A_612, %dma_wait3A_613, %dma_wait3A_614] : memref<4x512x32xf32, #tpu.memory_space<vmem>> -> memref<1x512x32xf32, #tpu.memory_space<vmem>>
      %dma_wait3A_616 = tpu.memref_squeeze %dma_wait3A_615 : memref<1x512x32xf32, #tpu.memory_space<vmem>> -> memref<512x32xf32, #tpu.memory_space<vmem>>
      %dma_wait3A_617 = arith.constant 0 : i32
      %dma_wait3A_618 = arith.constant 0 : i32
      %dma_wait3A_619 = tpu.memref_slice %arg3[%dma_wait3A_617, %dma_wait3A_618] : memref<1000000x32xf32, #tpu.memory_space<hbm>> -> memref<512x32xf32, #tpu.memory_space<hbm>>
      %dma_wait3A_620 = arith.constant 0 : i32
      %dma_wait3A_621 = arith.constant 0 : i32
      %dma_wait3A_622 = tpu.memref_slice %arg6[%dma_wait3A_612, %dma_wait3A_620, %dma_wait3A_621] : memref<4x512x32xf32, #tpu.memory_space<vmem>> -> memref<1x512x32xf32, #tpu.memory_space<vmem>>
      %dma_wait3A_623 = tpu.memref_squeeze %dma_wait3A_622 : memref<1x512x32xf32, #tpu.memory_space<vmem>> -> memref<512x32xf32, #tpu.memory_space<vmem>>
      %dma_wait3A_624 = arith.constant 0 : i32
      %dma_wait3A_625 = arith.constant 0 : i32
      %dma_wait3A_626 = tpu.memref_slice %arg3[%dma_wait3A_624, %dma_wait3A_625] : memref<1000000x32xf32, #tpu.memory_space<hbm>> -> memref<512x32xf32, #tpu.memory_space<hbm>>
      tpu.wait_dma2 semaphore(%arg11 : memref<!tpu.dma_semaphore, #tpu.memory_space<semaphore_mem>>) src(%dma_wait3A_626 : memref<512x32xf32, #tpu.memory_space<hbm>>) dst(%dma_wait3A_623 : memref<512x32xf32, #tpu.memory_space<vmem>>)
      %add3A_627 = arith.constant 2 : i32
      %add3A_628 = arith.addi %add3A_611, %add3A_627 : i32
      %dma_start3A_629 = arith.constant 0 : i32
      %dma_start3A_630 = arith.constant 0 : i32
      %dma_start3A_631 = arith.constant 0 : i32
      %dma_start3A_632 = arith.constant 0 : i32
      %dma_start3A_633 = tpu.memref_slice %arg6[%dma_start3A_630, %dma_start3A_631, %dma_start3A_632] : memref<4x512x32xf32, #tpu.memory_space<vmem>> -> memref<1x128x32xf32, #tpu.memory_space<vmem>>
      %dma_start3A_634 = tpu.memref_squeeze %dma_start3A_633 : memref<1x128x32xf32, #tpu.memory_space<vmem>> -> memref<128x32xf32, #tpu.memory_space<vmem>>
      %dma_start3A_635 = arith.constant 0 : i32
      %dma_start3A_636 = tpu.memref_slice %arg5[%dma_start3A_629, %add3A_628, %dma_start3A_635] : memref<4x50x128xi32, #tpu.memory_space<vmem>> -> memref<1x1x128xi32, #tpu.memory_space<vmem>>
      %dma_start3A_637 = tpu.memref_squeeze %dma_start3A_636 : memref<1x1x128xi32, #tpu.memory_space<vmem>> -> memref<128xi32, #tpu.memory_space<vmem>>
      %dma_start3A_638 = arith.constant 0 : i32
      %dma_start3A_639 = arith.constant 0 : i32
      %dma_start3A_640 = tpu.memref_slice %arg3[%dma_start3A_638, %dma_start3A_639] : memref<1000000x32xf32, #tpu.memory_space<hbm>> -> memref<1000000x32xf32, #tpu.memory_space<hbm>>
      tpu.enqueue_indirect_dma source(%dma_start3A_640 : memref<1000000x32xf32, #tpu.memory_space<hbm>>) target(%dma_start3A_634 : memref<128x32xf32, #tpu.memory_space<vmem>>) offsets(%dma_start3A_637 : memref<128xi32, #tpu.memory_space<vmem>>) semaphore(%arg7 : memref<!tpu.dma_semaphore, #tpu.memory_space<semaphore_mem>>)
      %dma_start3A_641 = arith.constant 1 : i32
      %dma_start3A_642 = arith.constant 0 : i32
      %dma_start3A_643 = arith.constant 128 : i32
      %dma_start3A_644 = arith.constant 0 : i32
      %dma_start3A_645 = tpu.memref_slice %arg6[%dma_start3A_642, %dma_start3A_643, %dma_start3A_644] : memref<4x512x32xf32, #tpu.memory_space<vmem>> -> memref<1x128x32xf32, #tpu.memory_space<vmem>>
      %dma_start3A_646 = tpu.memref_squeeze %dma_start3A_645 : memref<1x128x32xf32, #tpu.memory_space<vmem>> -> memref<128x32xf32, #tpu.memory_space<vmem>>
      %dma_start3A_647 = arith.constant 0 : i32
      %dma_start3A_648 = tpu.memref_slice %arg5[%dma_start3A_641, %add3A_628, %dma_start3A_647] : memref<4x50x128xi32, #tpu.memory_space<vmem>> -> memref<1x1x128xi32, #tpu.memory_space<vmem>>
      %dma_start3A_649 = tpu.memref_squeeze %dma_start3A_648 : memref<1x1x128xi32, #tpu.memory_space<vmem>> -> memref<128xi32, #tpu.memory_space<vmem>>
      %dma_start3A_650 = arith.constant 0 : i32
      %dma_start3A_651 = arith.constant 0 : i32
      %dma_start3A_652 = tpu.memref_slice %arg3[%dma_start3A_650, %dma_start3A_651] : memref<1000000x32xf32, #tpu.memory_space<hbm>> -> memref<1000000x32xf32, #tpu.memory_space<hbm>>
      tpu.enqueue_indirect_dma source(%dma_start3A_652 : memref<1000000x32xf32, #tpu.memory_space<hbm>>) target(%dma_start3A_646 : memref<128x32xf32, #tpu.memory_space<vmem>>) offsets(%dma_start3A_649 : memref<128xi32, #tpu.memory_space<vmem>>) semaphore(%arg7 : memref<!tpu.dma_semaphore, #tpu.memory_space<semaphore_mem>>)
      %dma_start3A_653 = arith.constant 2 : i32
      %dma_start3A_654 = arith.constant 0 : i32
      %dma_start3A_655 = arith.constant 256 : i32
      %dma_start3A_656 = arith.constant 0 : i32
      %dma_start3A_657 = tpu.memref_slice %arg6[%dma_start3A_654, %dma_start3A_655, %dma_start3A_656] : memref<4x512x32xf32, #tpu.memory_space<vmem>> -> memref<1x128x32xf32, #tpu.memory_space<vmem>>
      %dma_start3A_658 = tpu.memref_squeeze %dma_start3A_657 : memref<1x128x32xf32, #tpu.memory_space<vmem>> -> memref<128x32xf32, #tpu.memory_space<vmem>>
      %dma_start3A_659 = arith.constant 0 : i32
      %dma_start3A_660 = tpu.memref_slice %arg5[%dma_start3A_653, %add3A_628, %dma_start3A_659] : memref<4x50x128xi32, #tpu.memory_space<vmem>> -> memref<1x1x128xi32, #tpu.memory_space<vmem>>
      %dma_start3A_661 = tpu.memref_squeeze %dma_start3A_660 : memref<1x1x128xi32, #tpu.memory_space<vmem>> -> memref<128xi32, #tpu.memory_space<vmem>>
      %dma_start3A_662 = arith.constant 0 : i32
      %dma_start3A_663 = arith.constant 0 : i32
      %dma_start3A_664 = tpu.memref_slice %arg3[%dma_start3A_662, %dma_start3A_663] : memref<1000000x32xf32, #tpu.memory_space<hbm>> -> memref<1000000x32xf32, #tpu.memory_space<hbm>>
      tpu.enqueue_indirect_dma source(%dma_start3A_664 : memref<1000000x32xf32, #tpu.memory_space<hbm>>) target(%dma_start3A_658 : memref<128x32xf32, #tpu.memory_space<vmem>>) offsets(%dma_start3A_661 : memref<128xi32, #tpu.memory_space<vmem>>) semaphore(%arg7 : memref<!tpu.dma_semaphore, #tpu.memory_space<semaphore_mem>>)
      %dma_start3A_665 = arith.constant 3 : i32
      %dma_start3A_666 = arith.constant 0 : i32
      %dma_start3A_667 = arith.constant 384 : i32
      %dma_start3A_668 = arith.constant 0 : i32
      %dma_start3A_669 = tpu.memref_slice %arg6[%dma_start3A_666, %dma_start3A_667, %dma_start3A_668] : memref<4x512x32xf32, #tpu.memory_space<vmem>> -> memref<1x128x32xf32, #tpu.memory_space<vmem>>
      %dma_start3A_670 = tpu.memref_squeeze %dma_start3A_669 : memref<1x128x32xf32, #tpu.memory_space<vmem>> -> memref<128x32xf32, #tpu.memory_space<vmem>>
      %dma_start3A_671 = arith.constant 0 : i32
      %dma_start3A_672 = tpu.memref_slice %arg5[%dma_start3A_665, %add3A_628, %dma_start3A_671] : memref<4x50x128xi32, #tpu.memory_space<vmem>> -> memref<1x1x128xi32, #tpu.memory_space<vmem>>
      %dma_start3A_673 = tpu.memref_squeeze %dma_start3A_672 : memref<1x1x128xi32, #tpu.memory_space<vmem>> -> memref<128xi32, #tpu.memory_space<vmem>>
      %dma_start3A_674 = arith.constant 0 : i32
      %dma_start3A_675 = arith.constant 0 : i32
      %dma_start3A_676 = tpu.memref_slice %arg3[%dma_start3A_674, %dma_start3A_675] : memref<1000000x32xf32, #tpu.memory_space<hbm>> -> memref<1000000x32xf32, #tpu.memory_space<hbm>>
      tpu.enqueue_indirect_dma source(%dma_start3A_676 : memref<1000000x32xf32, #tpu.memory_space<hbm>>) target(%dma_start3A_670 : memref<128x32xf32, #tpu.memory_space<vmem>>) offsets(%dma_start3A_673 : memref<128xi32, #tpu.memory_space<vmem>>) semaphore(%arg7 : memref<!tpu.dma_semaphore, #tpu.memory_space<semaphore_mem>>)
      %dma_wait3A_677 = arith.constant 2 : i32
      %dma_wait3A_678 = arith.constant 0 : i32
      %dma_wait3A_679 = arith.constant 0 : i32
      %dma_wait3A_680 = tpu.memref_slice %arg6[%dma_wait3A_677, %dma_wait3A_678, %dma_wait3A_679] : memref<4x512x32xf32, #tpu.memory_space<vmem>> -> memref<1x512x32xf32, #tpu.memory_space<vmem>>
      %dma_wait3A_681 = tpu.memref_squeeze %dma_wait3A_680 : memref<1x512x32xf32, #tpu.memory_space<vmem>> -> memref<512x32xf32, #tpu.memory_space<vmem>>
      %dma_wait3A_682 = arith.constant 0 : i32
      %dma_wait3A_683 = arith.constant 0 : i32
      %dma_wait3A_684 = tpu.memref_slice %arg3[%dma_wait3A_682, %dma_wait3A_683] : memref<1000000x32xf32, #tpu.memory_space<hbm>> -> memref<512x32xf32, #tpu.memory_space<hbm>>
      %dma_wait3A_685 = arith.constant 0 : i32
      %dma_wait3A_686 = arith.constant 0 : i32
      %dma_wait3A_687 = tpu.memref_slice %arg6[%dma_wait3A_677, %dma_wait3A_685, %dma_wait3A_686] : memref<4x512x32xf32, #tpu.memory_space<vmem>> -> memref<1x512x32xf32, #tpu.memory_space<vmem>>
      %dma_wait3A_688 = tpu.memref_squeeze %dma_wait3A_687 : memref<1x512x32xf32, #tpu.memory_space<vmem>> -> memref<512x32xf32, #tpu.memory_space<vmem>>
      %dma_wait3A_689 = arith.constant 0 : i32
      %dma_wait3A_690 = arith.constant 0 : i32
      %dma_wait3A_691 = tpu.memref_slice %arg3[%dma_wait3A_689, %dma_wait3A_690] : memref<1000000x32xf32, #tpu.memory_space<hbm>> -> memref<512x32xf32, #tpu.memory_space<hbm>>
      tpu.wait_dma2 semaphore(%arg9 : memref<!tpu.dma_semaphore, #tpu.memory_space<semaphore_mem>>) src(%dma_wait3A_691 : memref<512x32xf32, #tpu.memory_space<hbm>>) dst(%dma_wait3A_688 : memref<512x32xf32, #tpu.memory_space<vmem>>)
      %dma_start3A_692 = arith.constant 2 : i32
      %dma_start3A_693 = arith.constant 0 : i32
      %dma_start3A_694 = arith.constant 0 : i32
      %dma_start3A_695 = tpu.memref_slice %arg6[%dma_start3A_692, %dma_start3A_693, %dma_start3A_694] : memref<4x512x32xf32, #tpu.memory_space<vmem>> -> memref<1x512x32xf32, #tpu.memory_space<vmem>>
      %dma_start3A_696 = tpu.memref_squeeze %dma_start3A_695 : memref<1x512x32xf32, #tpu.memory_space<vmem>> -> memref<512x32xf32, #tpu.memory_space<vmem>>
      %dma_start3A_697 = arith.constant 0 : i32
      %dma_start3A_698 = tpu.memref_slice %arg4[%add3A_611, %mul3A_2, %dma_start3A_697] : memref<50x16384x32xf32, #tpu.memory_space<hbm>> -> memref<1x512x32xf32, #tpu.memory_space<hbm>>
      %dma_start3A_699 = tpu.memref_squeeze %dma_start3A_698 : memref<1x512x32xf32, #tpu.memory_space<hbm>> -> memref<512x32xf32, #tpu.memory_space<hbm>>
      %dma_start3A_700 = arith.constant 0 : i32
      %dma_start3A_701 = tpu.memref_slice %arg4[%add3A_611, %mul3A_2, %dma_start3A_700] : memref<50x16384x32xf32, #tpu.memory_space<hbm>> -> memref<1x512x32xf32, #tpu.memory_space<hbm>>
      %dma_start3A_702 = tpu.memref_squeeze %dma_start3A_701 : memref<1x512x32xf32, #tpu.memory_space<hbm>> -> memref<512x32xf32, #tpu.memory_space<hbm>>
      %dma_start3A_703 = arith.constant 0 : i32
      %dma_start3A_704 = arith.constant 0 : i32
      %dma_start3A_705 = tpu.memref_slice %arg6[%dma_start3A_692, %dma_start3A_703, %dma_start3A_704] : memref<4x512x32xf32, #tpu.memory_space<vmem>> -> memref<1x512x32xf32, #tpu.memory_space<vmem>>
      %dma_start3A_706 = tpu.memref_squeeze %dma_start3A_705 : memref<1x512x32xf32, #tpu.memory_space<vmem>> -> memref<512x32xf32, #tpu.memory_space<vmem>>
      tpu.enqueue_dma source(%dma_start3A_706 : memref<512x32xf32, #tpu.memory_space<vmem>>) target(%dma_start3A_702 : memref<512x32xf32, #tpu.memory_space<hbm>>) target_semaphore(%arg13 : memref<!tpu.dma_semaphore, #tpu.memory_space<semaphore_mem>>)
      %mul3A_707 = arith.constant 4 : i32
      %mul3A_708 = arith.muli %mul3A_707, %scan3A_605 : i32
      %add3A_709 = arith.constant 2 : i32
      %add3A_710 = arith.addi %mul3A_708, %add3A_709 : i32
      %add3A_711 = arith.constant 1 : i32
      %add3A_712 = arith.addi %add3A_710, %add3A_711 : i32
      %dma_wait3A_713 = arith.constant 1 : i32
      %dma_wait3A_714 = arith.constant 0 : i32
      %dma_wait3A_715 = arith.constant 0 : i32
      %dma_wait3A_716 = tpu.memref_slice %arg6[%dma_wait3A_713, %dma_wait3A_714, %dma_wait3A_715] : memref<4x512x32xf32, #tpu.memory_space<vmem>> -> memref<1x512x32xf32, #tpu.memory_space<vmem>>
      %dma_wait3A_717 = tpu.memref_squeeze %dma_wait3A_716 : memref<1x512x32xf32, #tpu.memory_space<vmem>> -> memref<512x32xf32, #tpu.memory_space<vmem>>
      %dma_wait3A_718 = arith.constant 0 : i32
      %dma_wait3A_719 = arith.constant 0 : i32
      %dma_wait3A_720 = tpu.memref_slice %arg3[%dma_wait3A_718, %dma_wait3A_719] : memref<1000000x32xf32, #tpu.memory_space<hbm>> -> memref<512x32xf32, #tpu.memory_space<hbm>>
      %dma_wait3A_721 = arith.constant 0 : i32
      %dma_wait3A_722 = arith.constant 0 : i32
      %dma_wait3A_723 = tpu.memref_slice %arg6[%dma_wait3A_713, %dma_wait3A_721, %dma_wait3A_722] : memref<4x512x32xf32, #tpu.memory_space<vmem>> -> memref<1x512x32xf32, #tpu.memory_space<vmem>>
      %dma_wait3A_724 = tpu.memref_squeeze %dma_wait3A_723 : memref<1x512x32xf32, #tpu.memory_space<vmem>> -> memref<512x32xf32, #tpu.memory_space<vmem>>
      %dma_wait3A_725 = arith.constant 0 : i32
      %dma_wait3A_726 = arith.constant 0 : i32
      %dma_wait3A_727 = tpu.memref_slice %arg3[%dma_wait3A_725, %dma_wait3A_726] : memref<1000000x32xf32, #tpu.memory_space<hbm>> -> memref<512x32xf32, #tpu.memory_space<hbm>>
      tpu.wait_dma2 semaphore(%arg12 : memref<!tpu.dma_semaphore, #tpu.memory_space<semaphore_mem>>) src(%dma_wait3A_727 : memref<512x32xf32, #tpu.memory_space<hbm>>) dst(%dma_wait3A_724 : memref<512x32xf32, #tpu.memory_space<vmem>>)
      %add3A_728 = arith.constant 2 : i32
      %add3A_729 = arith.addi %add3A_712, %add3A_728 : i32
      %dma_start3A_730 = arith.constant 0 : i32
      %dma_start3A_731 = arith.constant 1 : i32
      %dma_start3A_732 = arith.constant 0 : i32
      %dma_start3A_733 = arith.constant 0 : i32
      %dma_start3A_734 = tpu.memref_slice %arg6[%dma_start3A_731, %dma_start3A_732, %dma_start3A_733] : memref<4x512x32xf32, #tpu.memory_space<vmem>> -> memref<1x128x32xf32, #tpu.memory_space<vmem>>
      %dma_start3A_735 = tpu.memref_squeeze %dma_start3A_734 : memref<1x128x32xf32, #tpu.memory_space<vmem>> -> memref<128x32xf32, #tpu.memory_space<vmem>>
      %dma_start3A_736 = arith.constant 0 : i32
      %dma_start3A_737 = tpu.memref_slice %arg5[%dma_start3A_730, %add3A_729, %dma_start3A_736] : memref<4x50x128xi32, #tpu.memory_space<vmem>> -> memref<1x1x128xi32, #tpu.memory_space<vmem>>
      %dma_start3A_738 = tpu.memref_squeeze %dma_start3A_737 : memref<1x1x128xi32, #tpu.memory_space<vmem>> -> memref<128xi32, #tpu.memory_space<vmem>>
      %dma_start3A_739 = arith.constant 0 : i32
      %dma_start3A_740 = arith.constant 0 : i32
      %dma_start3A_741 = tpu.memref_slice %arg3[%dma_start3A_739, %dma_start3A_740] : memref<1000000x32xf32, #tpu.memory_space<hbm>> -> memref<1000000x32xf32, #tpu.memory_space<hbm>>
      tpu.enqueue_indirect_dma source(%dma_start3A_741 : memref<1000000x32xf32, #tpu.memory_space<hbm>>) target(%dma_start3A_735 : memref<128x32xf32, #tpu.memory_space<vmem>>) offsets(%dma_start3A_738 : memref<128xi32, #tpu.memory_space<vmem>>) semaphore(%arg8 : memref<!tpu.dma_semaphore, #tpu.memory_space<semaphore_mem>>)
      %dma_start3A_742 = arith.constant 1 : i32
      %dma_start3A_743 = arith.constant 1 : i32
      %dma_start3A_744 = arith.constant 128 : i32
      %dma_start3A_745 = arith.constant 0 : i32
      %dma_start3A_746 = tpu.memref_slice %arg6[%dma_start3A_743, %dma_start3A_744, %dma_start3A_745] : memref<4x512x32xf32, #tpu.memory_space<vmem>> -> memref<1x128x32xf32, #tpu.memory_space<vmem>>
      %dma_start3A_747 = tpu.memref_squeeze %dma_start3A_746 : memref<1x128x32xf32, #tpu.memory_space<vmem>> -> memref<128x32xf32, #tpu.memory_space<vmem>>
      %dma_start3A_748 = arith.constant 0 : i32
      %dma_start3A_749 = tpu.memref_slice %arg5[%dma_start3A_742, %add3A_729, %dma_start3A_748] : memref<4x50x128xi32, #tpu.memory_space<vmem>> -> memref<1x1x128xi32, #tpu.memory_space<vmem>>
      %dma_start3A_750 = tpu.memref_squeeze %dma_start3A_749 : memref<1x1x128xi32, #tpu.memory_space<vmem>> -> memref<128xi32, #tpu.memory_space<vmem>>
      %dma_start3A_751 = arith.constant 0 : i32
      %dma_start3A_752 = arith.constant 0 : i32
      %dma_start3A_753 = tpu.memref_slice %arg3[%dma_start3A_751, %dma_start3A_752] : memref<1000000x32xf32, #tpu.memory_space<hbm>> -> memref<1000000x32xf32, #tpu.memory_space<hbm>>
      tpu.enqueue_indirect_dma source(%dma_start3A_753 : memref<1000000x32xf32, #tpu.memory_space<hbm>>) target(%dma_start3A_747 : memref<128x32xf32, #tpu.memory_space<vmem>>) offsets(%dma_start3A_750 : memref<128xi32, #tpu.memory_space<vmem>>) semaphore(%arg8 : memref<!tpu.dma_semaphore, #tpu.memory_space<semaphore_mem>>)
      %dma_start3A_754 = arith.constant 2 : i32
      %dma_start3A_755 = arith.constant 1 : i32
      %dma_start3A_756 = arith.constant 256 : i32
      %dma_start3A_757 = arith.constant 0 : i32
      %dma_start3A_758 = tpu.memref_slice %arg6[%dma_start3A_755, %dma_start3A_756, %dma_start3A_757] : memref<4x512x32xf32, #tpu.memory_space<vmem>> -> memref<1x128x32xf32, #tpu.memory_space<vmem>>
      %dma_start3A_759 = tpu.memref_squeeze %dma_start3A_758 : memref<1x128x32xf32, #tpu.memory_space<vmem>> -> memref<128x32xf32, #tpu.memory_space<vmem>>
      %dma_start3A_760 = arith.constant 0 : i32
      %dma_start3A_761 = tpu.memref_slice %arg5[%dma_start3A_754, %add3A_729, %dma_start3A_760] : memref<4x50x128xi32, #tpu.memory_space<vmem>> -> memref<1x1x128xi32, #tpu.memory_space<vmem>>
      %dma_start3A_762 = tpu.memref_squeeze %dma_start3A_761 : memref<1x1x128xi32, #tpu.memory_space<vmem>> -> memref<128xi32, #tpu.memory_space<vmem>>
      %dma_start3A_763 = arith.constant 0 : i32
      %dma_start3A_764 = arith.constant 0 : i32
      %dma_start3A_765 = tpu.memref_slice %arg3[%dma_start3A_763, %dma_start3A_764] : memref<1000000x32xf32, #tpu.memory_space<hbm>> -> memref<1000000x32xf32, #tpu.memory_space<hbm>>
      tpu.enqueue_indirect_dma source(%dma_start3A_765 : memref<1000000x32xf32, #tpu.memory_space<hbm>>) target(%dma_start3A_759 : memref<128x32xf32, #tpu.memory_space<vmem>>) offsets(%dma_start3A_762 : memref<128xi32, #tpu.memory_space<vmem>>) semaphore(%arg8 : memref<!tpu.dma_semaphore, #tpu.memory_space<semaphore_mem>>)
      %dma_start3A_766 = arith.constant 3 : i32
      %dma_start3A_767 = arith.constant 1 : i32
      %dma_start3A_768 = arith.constant 384 : i32
      %dma_start3A_769 = arith.constant 0 : i32
      %dma_start3A_770 = tpu.memref_slice %arg6[%dma_start3A_767, %dma_start3A_768, %dma_start3A_769] : memref<4x512x32xf32, #tpu.memory_space<vmem>> -> memref<1x128x32xf32, #tpu.memory_space<vmem>>
      %dma_start3A_771 = tpu.memref_squeeze %dma_start3A_770 : memref<1x128x32xf32, #tpu.memory_space<vmem>> -> memref<128x32xf32, #tpu.memory_space<vmem>>
      %dma_start3A_772 = arith.constant 0 : i32
      %dma_start3A_773 = tpu.memref_slice %arg5[%dma_start3A_766, %add3A_729, %dma_start3A_772] : memref<4x50x128xi32, #tpu.memory_space<vmem>> -> memref<1x1x128xi32, #tpu.memory_space<vmem>>
      %dma_start3A_774 = tpu.memref_squeeze %dma_start3A_773 : memref<1x1x128xi32, #tpu.memory_space<vmem>> -> memref<128xi32, #tpu.memory_space<vmem>>
      %dma_start3A_775 = arith.constant 0 : i32
      %dma_start3A_776 = arith.constant 0 : i32
      %dma_start3A_777 = tpu.memref_slice %arg3[%dma_start3A_775, %dma_start3A_776] : memref<1000000x32xf32, #tpu.memory_space<hbm>> -> memref<1000000x32xf32, #tpu.memory_space<hbm>>
      tpu.enqueue_indirect_dma source(%dma_start3A_777 : memref<1000000x32xf32, #tpu.memory_space<hbm>>) target(%dma_start3A_771 : memref<128x32xf32, #tpu.memory_space<vmem>>) offsets(%dma_start3A_774 : memref<128xi32, #tpu.memory_space<vmem>>) semaphore(%arg8 : memref<!tpu.dma_semaphore, #tpu.memory_space<semaphore_mem>>)
      %dma_wait3A_778 = arith.constant 3 : i32
      %dma_wait3A_779 = arith.constant 0 : i32
      %dma_wait3A_780 = arith.constant 0 : i32
      %dma_wait3A_781 = tpu.memref_slice %arg6[%dma_wait3A_778, %dma_wait3A_779, %dma_wait3A_780] : memref<4x512x32xf32, #tpu.memory_space<vmem>> -> memref<1x512x32xf32, #tpu.memory_space<vmem>>
      %dma_wait3A_782 = tpu.memref_squeeze %dma_wait3A_781 : memref<1x512x32xf32, #tpu.memory_space<vmem>> -> memref<512x32xf32, #tpu.memory_space<vmem>>
      %dma_wait3A_783 = arith.constant 0 : i32
      %dma_wait3A_784 = arith.constant 0 : i32
      %dma_wait3A_785 = tpu.memref_slice %arg3[%dma_wait3A_783, %dma_wait3A_784] : memref<1000000x32xf32, #tpu.memory_space<hbm>> -> memref<512x32xf32, #tpu.memory_space<hbm>>
      %dma_wait3A_786 = arith.constant 0 : i32
      %dma_wait3A_787 = arith.constant 0 : i32
      %dma_wait3A_788 = tpu.memref_slice %arg6[%dma_wait3A_778, %dma_wait3A_786, %dma_wait3A_787] : memref<4x512x32xf32, #tpu.memory_space<vmem>> -> memref<1x512x32xf32, #tpu.memory_space<vmem>>
      %dma_wait3A_789 = tpu.memref_squeeze %dma_wait3A_788 : memref<1x512x32xf32, #tpu.memory_space<vmem>> -> memref<512x32xf32, #tpu.memory_space<vmem>>
      %dma_wait3A_790 = arith.constant 0 : i32
      %dma_wait3A_791 = arith.constant 0 : i32
      %dma_wait3A_792 = tpu.memref_slice %arg3[%dma_wait3A_790, %dma_wait3A_791] : memref<1000000x32xf32, #tpu.memory_space<hbm>> -> memref<512x32xf32, #tpu.memory_space<hbm>>
      tpu.wait_dma2 semaphore(%arg10 : memref<!tpu.dma_semaphore, #tpu.memory_space<semaphore_mem>>) src(%dma_wait3A_792 : memref<512x32xf32, #tpu.memory_space<hbm>>) dst(%dma_wait3A_789 : memref<512x32xf32, #tpu.memory_space<vmem>>)
      %dma_start3A_793 = arith.constant 3 : i32
      %dma_start3A_794 = arith.constant 0 : i32
      %dma_start3A_795 = arith.constant 0 : i32
      %dma_start3A_796 = tpu.memref_slice %arg6[%dma_start3A_793, %dma_start3A_794, %dma_start3A_795] : memref<4x512x32xf32, #tpu.memory_space<vmem>> -> memref<1x512x32xf32, #tpu.memory_space<vmem>>
      %dma_start3A_797 = tpu.memref_squeeze %dma_start3A_796 : memref<1x512x32xf32, #tpu.memory_space<vmem>> -> memref<512x32xf32, #tpu.memory_space<vmem>>
      %dma_start3A_798 = arith.constant 0 : i32
      %dma_start3A_799 = tpu.memref_slice %arg4[%add3A_712, %mul3A_2, %dma_start3A_798] : memref<50x16384x32xf32, #tpu.memory_space<hbm>> -> memref<1x512x32xf32, #tpu.memory_space<hbm>>
      %dma_start3A_800 = tpu.memref_squeeze %dma_start3A_799 : memref<1x512x32xf32, #tpu.memory_space<hbm>> -> memref<512x32xf32, #tpu.memory_space<hbm>>
      %dma_start3A_801 = arith.constant 0 : i32
      %dma_start3A_802 = tpu.memref_slice %arg4[%add3A_712, %mul3A_2, %dma_start3A_801] : memref<50x16384x32xf32, #tpu.memory_space<hbm>> -> memref<1x512x32xf32, #tpu.memory_space<hbm>>
      %dma_start3A_803 = tpu.memref_squeeze %dma_start3A_802 : memref<1x512x32xf32, #tpu.memory_space<hbm>> -> memref<512x32xf32, #tpu.memory_space<hbm>>
      %dma_start3A_804 = arith.constant 0 : i32
      %dma_start3A_805 = arith.constant 0 : i32
      %dma_start3A_806 = tpu.memref_slice %arg6[%dma_start3A_793, %dma_start3A_804, %dma_start3A_805] : memref<4x512x32xf32, #tpu.memory_space<vmem>> -> memref<1x512x32xf32, #tpu.memory_space<vmem>>
      %dma_start3A_807 = tpu.memref_squeeze %dma_start3A_806 : memref<1x512x32xf32, #tpu.memory_space<vmem>> -> memref<512x32xf32, #tpu.memory_space<vmem>>
      tpu.enqueue_dma source(%dma_start3A_807 : memref<512x32xf32, #tpu.memory_space<vmem>>) target(%dma_start3A_803 : memref<512x32xf32, #tpu.memory_space<hbm>>) target_semaphore(%arg14 : memref<!tpu.dma_semaphore, #tpu.memory_space<semaphore_mem>>)
      %mul3A_808 = arith.constant 4 : i32
      %mul3A_809 = arith.muli %mul3A_808, %scan3A_605 : i32
      %add3A_810 = arith.constant 2 : i32
      %add3A_811 = arith.addi %mul3A_809, %add3A_810 : i32
      %add3A_812 = arith.constant 2 : i32
      %add3A_813 = arith.addi %add3A_811, %add3A_812 : i32
      %dma_wait3A_814 = arith.constant 2 : i32
      %dma_wait3A_815 = arith.constant 0 : i32
      %dma_wait3A_816 = arith.constant 0 : i32
      %dma_wait3A_817 = tpu.memref_slice %arg6[%dma_wait3A_814, %dma_wait3A_815, %dma_wait3A_816] : memref<4x512x32xf32, #tpu.memory_space<vmem>> -> memref<1x512x32xf32, #tpu.memory_space<vmem>>
      %dma_wait3A_818 = tpu.memref_squeeze %dma_wait3A_817 : memref<1x512x32xf32, #tpu.memory_space<vmem>> -> memref<512x32xf32, #tpu.memory_space<vmem>>
      %dma_wait3A_819 = arith.constant 0 : i32
      %dma_wait3A_820 = arith.constant 0 : i32
      %dma_wait3A_821 = tpu.memref_slice %arg3[%dma_wait3A_819, %dma_wait3A_820] : memref<1000000x32xf32, #tpu.memory_space<hbm>> -> memref<512x32xf32, #tpu.memory_space<hbm>>
      %dma_wait3A_822 = arith.constant 0 : i32
      %dma_wait3A_823 = arith.constant 0 : i32
      %dma_wait3A_824 = tpu.memref_slice %arg6[%dma_wait3A_814, %dma_wait3A_822, %dma_wait3A_823] : memref<4x512x32xf32, #tpu.memory_space<vmem>> -> memref<1x512x32xf32, #tpu.memory_space<vmem>>
      %dma_wait3A_825 = tpu.memref_squeeze %dma_wait3A_824 : memref<1x512x32xf32, #tpu.memory_space<vmem>> -> memref<512x32xf32, #tpu.memory_space<vmem>>
      %dma_wait3A_826 = arith.constant 0 : i32
      %dma_wait3A_827 = arith.constant 0 : i32
      %dma_wait3A_828 = tpu.memref_slice %arg3[%dma_wait3A_826, %dma_wait3A_827] : memref<1000000x32xf32, #tpu.memory_space<hbm>> -> memref<512x32xf32, #tpu.memory_space<hbm>>
      tpu.wait_dma2 semaphore(%arg13 : memref<!tpu.dma_semaphore, #tpu.memory_space<semaphore_mem>>) src(%dma_wait3A_828 : memref<512x32xf32, #tpu.memory_space<hbm>>) dst(%dma_wait3A_825 : memref<512x32xf32, #tpu.memory_space<vmem>>)
      %add3A_829 = arith.constant 2 : i32
      %add3A_830 = arith.addi %add3A_813, %add3A_829 : i32
      %dma_start3A_831 = arith.constant 0 : i32
      %dma_start3A_832 = arith.constant 2 : i32
      %dma_start3A_833 = arith.constant 0 : i32
      %dma_start3A_834 = arith.constant 0 : i32
      %dma_start3A_835 = tpu.memref_slice %arg6[%dma_start3A_832, %dma_start3A_833, %dma_start3A_834] : memref<4x512x32xf32, #tpu.memory_space<vmem>> -> memref<1x128x32xf32, #tpu.memory_space<vmem>>
      %dma_start3A_836 = tpu.memref_squeeze %dma_start3A_835 : memref<1x128x32xf32, #tpu.memory_space<vmem>> -> memref<128x32xf32, #tpu.memory_space<vmem>>
      %dma_start3A_837 = arith.constant 0 : i32
      %dma_start3A_838 = tpu.memref_slice %arg5[%dma_start3A_831, %add3A_830, %dma_start3A_837] : memref<4x50x128xi32, #tpu.memory_space<vmem>> -> memref<1x1x128xi32, #tpu.memory_space<vmem>>
      %dma_start3A_839 = tpu.memref_squeeze %dma_start3A_838 : memref<1x1x128xi32, #tpu.memory_space<vmem>> -> memref<128xi32, #tpu.memory_space<vmem>>
      %dma_start3A_840 = arith.constant 0 : i32
      %dma_start3A_841 = arith.constant 0 : i32
      %dma_start3A_842 = tpu.memref_slice %arg3[%dma_start3A_840, %dma_start3A_841] : memref<1000000x32xf32, #tpu.memory_space<hbm>> -> memref<1000000x32xf32, #tpu.memory_space<hbm>>
      tpu.enqueue_indirect_dma source(%dma_start3A_842 : memref<1000000x32xf32, #tpu.memory_space<hbm>>) target(%dma_start3A_836 : memref<128x32xf32, #tpu.memory_space<vmem>>) offsets(%dma_start3A_839 : memref<128xi32, #tpu.memory_space<vmem>>) semaphore(%arg9 : memref<!tpu.dma_semaphore, #tpu.memory_space<semaphore_mem>>)
      %dma_start3A_843 = arith.constant 1 : i32
      %dma_start3A_844 = arith.constant 2 : i32
      %dma_start3A_845 = arith.constant 128 : i32
      %dma_start3A_846 = arith.constant 0 : i32
      %dma_start3A_847 = tpu.memref_slice %arg6[%dma_start3A_844, %dma_start3A_845, %dma_start3A_846] : memref<4x512x32xf32, #tpu.memory_space<vmem>> -> memref<1x128x32xf32, #tpu.memory_space<vmem>>
      %dma_start3A_848 = tpu.memref_squeeze %dma_start3A_847 : memref<1x128x32xf32, #tpu.memory_space<vmem>> -> memref<128x32xf32, #tpu.memory_space<vmem>>
      %dma_start3A_849 = arith.constant 0 : i32
      %dma_start3A_850 = tpu.memref_slice %arg5[%dma_start3A_843, %add3A_830, %dma_start3A_849] : memref<4x50x128xi32, #tpu.memory_space<vmem>> -> memref<1x1x128xi32, #tpu.memory_space<vmem>>
      %dma_start3A_851 = tpu.memref_squeeze %dma_start3A_850 : memref<1x1x128xi32, #tpu.memory_space<vmem>> -> memref<128xi32, #tpu.memory_space<vmem>>
      %dma_start3A_852 = arith.constant 0 : i32
      %dma_start3A_853 = arith.constant 0 : i32
      %dma_start3A_854 = tpu.memref_slice %arg3[%dma_start3A_852, %dma_start3A_853] : memref<1000000x32xf32, #tpu.memory_space<hbm>> -> memref<1000000x32xf32, #tpu.memory_space<hbm>>
      tpu.enqueue_indirect_dma source(%dma_start3A_854 : memref<1000000x32xf32, #tpu.memory_space<hbm>>) target(%dma_start3A_848 : memref<128x32xf32, #tpu.memory_space<vmem>>) offsets(%dma_start3A_851 : memref<128xi32, #tpu.memory_space<vmem>>) semaphore(%arg9 : memref<!tpu.dma_semaphore, #tpu.memory_space<semaphore_mem>>)
      %dma_start3A_855 = arith.constant 2 : i32
      %dma_start3A_856 = arith.constant 2 : i32
      %dma_start3A_857 = arith.constant 256 : i32
      %dma_start3A_858 = arith.constant 0 : i32
      %dma_start3A_859 = tpu.memref_slice %arg6[%dma_start3A_856, %dma_start3A_857, %dma_start3A_858] : memref<4x512x32xf32, #tpu.memory_space<vmem>> -> memref<1x128x32xf32, #tpu.memory_space<vmem>>
      %dma_start3A_860 = tpu.memref_squeeze %dma_start3A_859 : memref<1x128x32xf32, #tpu.memory_space<vmem>> -> memref<128x32xf32, #tpu.memory_space<vmem>>
      %dma_start3A_861 = arith.constant 0 : i32
      %dma_start3A_862 = tpu.memref_slice %arg5[%dma_start3A_855, %add3A_830, %dma_start3A_861] : memref<4x50x128xi32, #tpu.memory_space<vmem>> -> memref<1x1x128xi32, #tpu.memory_space<vmem>>
      %dma_start3A_863 = tpu.memref_squeeze %dma_start3A_862 : memref<1x1x128xi32, #tpu.memory_space<vmem>> -> memref<128xi32, #tpu.memory_space<vmem>>
      %dma_start3A_864 = arith.constant 0 : i32
      %dma_start3A_865 = arith.constant 0 : i32
      %dma_start3A_866 = tpu.memref_slice %arg3[%dma_start3A_864, %dma_start3A_865] : memref<1000000x32xf32, #tpu.memory_space<hbm>> -> memref<1000000x32xf32, #tpu.memory_space<hbm>>
      tpu.enqueue_indirect_dma source(%dma_start3A_866 : memref<1000000x32xf32, #tpu.memory_space<hbm>>) target(%dma_start3A_860 : memref<128x32xf32, #tpu.memory_space<vmem>>) offsets(%dma_start3A_863 : memref<128xi32, #tpu.memory_space<vmem>>) semaphore(%arg9 : memref<!tpu.dma_semaphore, #tpu.memory_space<semaphore_mem>>)
      %dma_start3A_867 = arith.constant 3 : i32
      %dma_start3A_868 = arith.constant 2 : i32
      %dma_start3A_869 = arith.constant 384 : i32
      %dma_start3A_870 = arith.constant 0 : i32
      %dma_start3A_871 = tpu.memref_slice %arg6[%dma_start3A_868, %dma_start3A_869, %dma_start3A_870] : memref<4x512x32xf32, #tpu.memory_space<vmem>> -> memref<1x128x32xf32, #tpu.memory_space<vmem>>
      %dma_start3A_872 = tpu.memref_squeeze %dma_start3A_871 : memref<1x128x32xf32, #tpu.memory_space<vmem>> -> memref<128x32xf32, #tpu.memory_space<vmem>>
      %dma_start3A_873 = arith.constant 0 : i32
      %dma_start3A_874 = tpu.memref_slice %arg5[%dma_start3A_867, %add3A_830, %dma_start3A_873] : memref<4x50x128xi32, #tpu.memory_space<vmem>> -> memref<1x1x128xi32, #tpu.memory_space<vmem>>
      %dma_start3A_875 = tpu.memref_squeeze %dma_start3A_874 : memref<1x1x128xi32, #tpu.memory_space<vmem>> -> memref<128xi32, #tpu.memory_space<vmem>>
      %dma_start3A_876 = arith.constant 0 : i32
      %dma_start3A_877 = arith.constant 0 : i32
      %dma_start3A_878 = tpu.memref_slice %arg3[%dma_start3A_876, %dma_start3A_877] : memref<1000000x32xf32, #tpu.memory_space<hbm>> -> memref<1000000x32xf32, #tpu.memory_space<hbm>>
      tpu.enqueue_indirect_dma source(%dma_start3A_878 : memref<1000000x32xf32, #tpu.memory_space<hbm>>) target(%dma_start3A_872 : memref<128x32xf32, #tpu.memory_space<vmem>>) offsets(%dma_start3A_875 : memref<128xi32, #tpu.memory_space<vmem>>) semaphore(%arg9 : memref<!tpu.dma_semaphore, #tpu.memory_space<semaphore_mem>>)
      %dma_wait3A_879 = arith.constant 0 : i32
      %dma_wait3A_880 = arith.constant 0 : i32
      %dma_wait3A_881 = arith.constant 0 : i32
      %dma_wait3A_882 = tpu.memref_slice %arg6[%dma_wait3A_879, %dma_wait3A_880, %dma_wait3A_881] : memref<4x512x32xf32, #tpu.memory_space<vmem>> -> memref<1x512x32xf32, #tpu.memory_space<vmem>>
      %dma_wait3A_883 = tpu.memref_squeeze %dma_wait3A_882 : memref<1x512x32xf32, #tpu.memory_space<vmem>> -> memref<512x32xf32, #tpu.memory_space<vmem>>
      %dma_wait3A_884 = arith.constant 0 : i32
      %dma_wait3A_885 = arith.constant 0 : i32
      %dma_wait3A_886 = tpu.memref_slice %arg3[%dma_wait3A_884, %dma_wait3A_885] : memref<1000000x32xf32, #tpu.memory_space<hbm>> -> memref<512x32xf32, #tpu.memory_space<hbm>>
      %dma_wait3A_887 = arith.constant 0 : i32
      %dma_wait3A_888 = arith.constant 0 : i32
      %dma_wait3A_889 = tpu.memref_slice %arg6[%dma_wait3A_879, %dma_wait3A_887, %dma_wait3A_888] : memref<4x512x32xf32, #tpu.memory_space<vmem>> -> memref<1x512x32xf32, #tpu.memory_space<vmem>>
      %dma_wait3A_890 = tpu.memref_squeeze %dma_wait3A_889 : memref<1x512x32xf32, #tpu.memory_space<vmem>> -> memref<512x32xf32, #tpu.memory_space<vmem>>
      %dma_wait3A_891 = arith.constant 0 : i32
      %dma_wait3A_892 = arith.constant 0 : i32
      %dma_wait3A_893 = tpu.memref_slice %arg3[%dma_wait3A_891, %dma_wait3A_892] : memref<1000000x32xf32, #tpu.memory_space<hbm>> -> memref<512x32xf32, #tpu.memory_space<hbm>>
      tpu.wait_dma2 semaphore(%arg7 : memref<!tpu.dma_semaphore, #tpu.memory_space<semaphore_mem>>) src(%dma_wait3A_893 : memref<512x32xf32, #tpu.memory_space<hbm>>) dst(%dma_wait3A_890 : memref<512x32xf32, #tpu.memory_space<vmem>>)
      %dma_start3A_894 = arith.constant 0 : i32
      %dma_start3A_895 = arith.constant 0 : i32
      %dma_start3A_896 = arith.constant 0 : i32
      %dma_start3A_897 = tpu.memref_slice %arg6[%dma_start3A_894, %dma_start3A_895, %dma_start3A_896] : memref<4x512x32xf32, #tpu.memory_space<vmem>> -> memref<1x512x32xf32, #tpu.memory_space<vmem>>
      %dma_start3A_898 = tpu.memref_squeeze %dma_start3A_897 : memref<1x512x32xf32, #tpu.memory_space<vmem>> -> memref<512x32xf32, #tpu.memory_space<vmem>>
      %dma_start3A_899 = arith.constant 0 : i32
      %dma_start3A_900 = tpu.memref_slice %arg4[%add3A_813, %mul3A_2, %dma_start3A_899] : memref<50x16384x32xf32, #tpu.memory_space<hbm>> -> memref<1x512x32xf32, #tpu.memory_space<hbm>>
      %dma_start3A_901 = tpu.memref_squeeze %dma_start3A_900 : memref<1x512x32xf32, #tpu.memory_space<hbm>> -> memref<512x32xf32, #tpu.memory_space<hbm>>
      %dma_start3A_902 = arith.constant 0 : i32
      %dma_start3A_903 = tpu.memref_slice %arg4[%add3A_813, %mul3A_2, %dma_start3A_902] : memref<50x16384x32xf32, #tpu.memory_space<hbm>> -> memref<1x512x32xf32, #tpu.memory_space<hbm>>
      %dma_start3A_904 = tpu.memref_squeeze %dma_start3A_903 : memref<1x512x32xf32, #tpu.memory_space<hbm>> -> memref<512x32xf32, #tpu.memory_space<hbm>>
      %dma_start3A_905 = arith.constant 0 : i32
      %dma_start3A_906 = arith.constant 0 : i32
      %dma_start3A_907 = tpu.memref_slice %arg6[%dma_start3A_894, %dma_start3A_905, %dma_start3A_906] : memref<4x512x32xf32, #tpu.memory_space<vmem>> -> memref<1x512x32xf32, #tpu.memory_space<vmem>>
      %dma_start3A_908 = tpu.memref_squeeze %dma_start3A_907 : memref<1x512x32xf32, #tpu.memory_space<vmem>> -> memref<512x32xf32, #tpu.memory_space<vmem>>
      tpu.enqueue_dma source(%dma_start3A_908 : memref<512x32xf32, #tpu.memory_space<vmem>>) target(%dma_start3A_904 : memref<512x32xf32, #tpu.memory_space<hbm>>) target_semaphore(%arg11 : memref<!tpu.dma_semaphore, #tpu.memory_space<semaphore_mem>>)
      %mul3A_909 = arith.constant 4 : i32
      %mul3A_910 = arith.muli %mul3A_909, %scan3A_605 : i32
      %add3A_911 = arith.constant 2 : i32
      %add3A_912 = arith.addi %mul3A_910, %add3A_911 : i32
      %add3A_913 = arith.constant 3 : i32
      %add3A_914 = arith.addi %add3A_912, %add3A_913 : i32
      %dma_wait3A_915 = arith.constant 3 : i32
      %dma_wait3A_916 = arith.constant 0 : i32
      %dma_wait3A_917 = arith.constant 0 : i32
      %dma_wait3A_918 = tpu.memref_slice %arg6[%dma_wait3A_915, %dma_wait3A_916, %dma_wait3A_917] : memref<4x512x32xf32, #tpu.memory_space<vmem>> -> memref<1x512x32xf32, #tpu.memory_space<vmem>>
      %dma_wait3A_919 = tpu.memref_squeeze %dma_wait3A_918 : memref<1x512x32xf32, #tpu.memory_space<vmem>> -> memref<512x32xf32, #tpu.memory_space<vmem>>
      %dma_wait3A_920 = arith.constant 0 : i32
      %dma_wait3A_921 = arith.constant 0 : i32
      %dma_wait3A_922 = tpu.memref_slice %arg3[%dma_wait3A_920, %dma_wait3A_921] : memref<1000000x32xf32, #tpu.memory_space<hbm>> -> memref<512x32xf32, #tpu.memory_space<hbm>>
      %dma_wait3A_923 = arith.constant 0 : i32
      %dma_wait3A_924 = arith.constant 0 : i32
      %dma_wait3A_925 = tpu.memref_slice %arg6[%dma_wait3A_915, %dma_wait3A_923, %dma_wait3A_924] : memref<4x512x32xf32, #tpu.memory_space<vmem>> -> memref<1x512x32xf32, #tpu.memory_space<vmem>>
      %dma_wait3A_926 = tpu.memref_squeeze %dma_wait3A_925 : memref<1x512x32xf32, #tpu.memory_space<vmem>> -> memref<512x32xf32, #tpu.memory_space<vmem>>
      %dma_wait3A_927 = arith.constant 0 : i32
      %dma_wait3A_928 = arith.constant 0 : i32
      %dma_wait3A_929 = tpu.memref_slice %arg3[%dma_wait3A_927, %dma_wait3A_928] : memref<1000000x32xf32, #tpu.memory_space<hbm>> -> memref<512x32xf32, #tpu.memory_space<hbm>>
      tpu.wait_dma2 semaphore(%arg14 : memref<!tpu.dma_semaphore, #tpu.memory_space<semaphore_mem>>) src(%dma_wait3A_929 : memref<512x32xf32, #tpu.memory_space<hbm>>) dst(%dma_wait3A_926 : memref<512x32xf32, #tpu.memory_space<vmem>>)
      %add3A_930 = arith.constant 2 : i32
      %add3A_931 = arith.addi %add3A_914, %add3A_930 : i32
      %dma_start3A_932 = arith.constant 0 : i32
      %dma_start3A_933 = arith.constant 3 : i32
      %dma_start3A_934 = arith.constant 0 : i32
      %dma_start3A_935 = arith.constant 0 : i32
      %dma_start3A_936 = tpu.memref_slice %arg6[%dma_start3A_933, %dma_start3A_934, %dma_start3A_935] : memref<4x512x32xf32, #tpu.memory_space<vmem>> -> memref<1x128x32xf32, #tpu.memory_space<vmem>>
      %dma_start3A_937 = tpu.memref_squeeze %dma_start3A_936 : memref<1x128x32xf32, #tpu.memory_space<vmem>> -> memref<128x32xf32, #tpu.memory_space<vmem>>
      %dma_start3A_938 = arith.constant 0 : i32
      %dma_start3A_939 = tpu.memref_slice %arg5[%dma_start3A_932, %add3A_931, %dma_start3A_938] : memref<4x50x128xi32, #tpu.memory_space<vmem>> -> memref<1x1x128xi32, #tpu.memory_space<vmem>>
      %dma_start3A_940 = tpu.memref_squeeze %dma_start3A_939 : memref<1x1x128xi32, #tpu.memory_space<vmem>> -> memref<128xi32, #tpu.memory_space<vmem>>
      %dma_start3A_941 = arith.constant 0 : i32
      %dma_start3A_942 = arith.constant 0 : i32
      %dma_start3A_943 = tpu.memref_slice %arg3[%dma_start3A_941, %dma_start3A_942] : memref<1000000x32xf32, #tpu.memory_space<hbm>> -> memref<1000000x32xf32, #tpu.memory_space<hbm>>
      tpu.enqueue_indirect_dma source(%dma_start3A_943 : memref<1000000x32xf32, #tpu.memory_space<hbm>>) target(%dma_start3A_937 : memref<128x32xf32, #tpu.memory_space<vmem>>) offsets(%dma_start3A_940 : memref<128xi32, #tpu.memory_space<vmem>>) semaphore(%arg10 : memref<!tpu.dma_semaphore, #tpu.memory_space<semaphore_mem>>)
      %dma_start3A_944 = arith.constant 1 : i32
      %dma_start3A_945 = arith.constant 3 : i32
      %dma_start3A_946 = arith.constant 128 : i32
      %dma_start3A_947 = arith.constant 0 : i32
      %dma_start3A_948 = tpu.memref_slice %arg6[%dma_start3A_945, %dma_start3A_946, %dma_start3A_947] : memref<4x512x32xf32, #tpu.memory_space<vmem>> -> memref<1x128x32xf32, #tpu.memory_space<vmem>>
      %dma_start3A_949 = tpu.memref_squeeze %dma_start3A_948 : memref<1x128x32xf32, #tpu.memory_space<vmem>> -> memref<128x32xf32, #tpu.memory_space<vmem>>
      %dma_start3A_950 = arith.constant 0 : i32
      %dma_start3A_951 = tpu.memref_slice %arg5[%dma_start3A_944, %add3A_931, %dma_start3A_950] : memref<4x50x128xi32, #tpu.memory_space<vmem>> -> memref<1x1x128xi32, #tpu.memory_space<vmem>>
      %dma_start3A_952 = tpu.memref_squeeze %dma_start3A_951 : memref<1x1x128xi32, #tpu.memory_space<vmem>> -> memref<128xi32, #tpu.memory_space<vmem>>
      %dma_start3A_953 = arith.constant 0 : i32
      %dma_start3A_954 = arith.constant 0 : i32
      %dma_start3A_955 = tpu.memref_slice %arg3[%dma_start3A_953, %dma_start3A_954] : memref<1000000x32xf32, #tpu.memory_space<hbm>> -> memref<1000000x32xf32, #tpu.memory_space<hbm>>
      tpu.enqueue_indirect_dma source(%dma_start3A_955 : memref<1000000x32xf32, #tpu.memory_space<hbm>>) target(%dma_start3A_949 : memref<128x32xf32, #tpu.memory_space<vmem>>) offsets(%dma_start3A_952 : memref<128xi32, #tpu.memory_space<vmem>>) semaphore(%arg10 : memref<!tpu.dma_semaphore, #tpu.memory_space<semaphore_mem>>)
      %dma_start3A_956 = arith.constant 2 : i32
      %dma_start3A_957 = arith.constant 3 : i32
      %dma_start3A_958 = arith.constant 256 : i32
      %dma_start3A_959 = arith.constant 0 : i32
      %dma_start3A_960 = tpu.memref_slice %arg6[%dma_start3A_957, %dma_start3A_958, %dma_start3A_959] : memref<4x512x32xf32, #tpu.memory_space<vmem>> -> memref<1x128x32xf32, #tpu.memory_space<vmem>>
      %dma_start3A_961 = tpu.memref_squeeze %dma_start3A_960 : memref<1x128x32xf32, #tpu.memory_space<vmem>> -> memref<128x32xf32, #tpu.memory_space<vmem>>
      %dma_start3A_962 = arith.constant 0 : i32
      %dma_start3A_963 = tpu.memref_slice %arg5[%dma_start3A_956, %add3A_931, %dma_start3A_962] : memref<4x50x128xi32, #tpu.memory_space<vmem>> -> memref<1x1x128xi32, #tpu.memory_space<vmem>>
      %dma_start3A_964 = tpu.memref_squeeze %dma_start3A_963 : memref<1x1x128xi32, #tpu.memory_space<vmem>> -> memref<128xi32, #tpu.memory_space<vmem>>
      %dma_start3A_965 = arith.constant 0 : i32
      %dma_start3A_966 = arith.constant 0 : i32
      %dma_start3A_967 = tpu.memref_slice %arg3[%dma_start3A_965, %dma_start3A_966] : memref<1000000x32xf32, #tpu.memory_space<hbm>> -> memref<1000000x32xf32, #tpu.memory_space<hbm>>
      tpu.enqueue_indirect_dma source(%dma_start3A_967 : memref<1000000x32xf32, #tpu.memory_space<hbm>>) target(%dma_start3A_961 : memref<128x32xf32, #tpu.memory_space<vmem>>) offsets(%dma_start3A_964 : memref<128xi32, #tpu.memory_space<vmem>>) semaphore(%arg10 : memref<!tpu.dma_semaphore, #tpu.memory_space<semaphore_mem>>)
      %dma_start3A_968 = arith.constant 3 : i32
      %dma_start3A_969 = arith.constant 3 : i32
      %dma_start3A_970 = arith.constant 384 : i32
      %dma_start3A_971 = arith.constant 0 : i32
      %dma_start3A_972 = tpu.memref_slice %arg6[%dma_start3A_969, %dma_start3A_970, %dma_start3A_971] : memref<4x512x32xf32, #tpu.memory_space<vmem>> -> memref<1x128x32xf32, #tpu.memory_space<vmem>>
      %dma_start3A_973 = tpu.memref_squeeze %dma_start3A_972 : memref<1x128x32xf32, #tpu.memory_space<vmem>> -> memref<128x32xf32, #tpu.memory_space<vmem>>
      %dma_start3A_974 = arith.constant 0 : i32
      %dma_start3A_975 = tpu.memref_slice %arg5[%dma_start3A_968, %add3A_931, %dma_start3A_974] : memref<4x50x128xi32, #tpu.memory_space<vmem>> -> memref<1x1x128xi32, #tpu.memory_space<vmem>>
      %dma_start3A_976 = tpu.memref_squeeze %dma_start3A_975 : memref<1x1x128xi32, #tpu.memory_space<vmem>> -> memref<128xi32, #tpu.memory_space<vmem>>
      %dma_start3A_977 = arith.constant 0 : i32
      %dma_start3A_978 = arith.constant 0 : i32
      %dma_start3A_979 = tpu.memref_slice %arg3[%dma_start3A_977, %dma_start3A_978] : memref<1000000x32xf32, #tpu.memory_space<hbm>> -> memref<1000000x32xf32, #tpu.memory_space<hbm>>
      tpu.enqueue_indirect_dma source(%dma_start3A_979 : memref<1000000x32xf32, #tpu.memory_space<hbm>>) target(%dma_start3A_973 : memref<128x32xf32, #tpu.memory_space<vmem>>) offsets(%dma_start3A_976 : memref<128xi32, #tpu.memory_space<vmem>>) semaphore(%arg10 : memref<!tpu.dma_semaphore, #tpu.memory_space<semaphore_mem>>)
      %dma_wait3A_980 = arith.constant 1 : i32
      %dma_wait3A_981 = arith.constant 0 : i32
      %dma_wait3A_982 = arith.constant 0 : i32
      %dma_wait3A_983 = tpu.memref_slice %arg6[%dma_wait3A_980, %dma_wait3A_981, %dma_wait3A_982] : memref<4x512x32xf32, #tpu.memory_space<vmem>> -> memref<1x512x32xf32, #tpu.memory_space<vmem>>
      %dma_wait3A_984 = tpu.memref_squeeze %dma_wait3A_983 : memref<1x512x32xf32, #tpu.memory_space<vmem>> -> memref<512x32xf32, #tpu.memory_space<vmem>>
      %dma_wait3A_985 = arith.constant 0 : i32
      %dma_wait3A_986 = arith.constant 0 : i32
      %dma_wait3A_987 = tpu.memref_slice %arg3[%dma_wait3A_985, %dma_wait3A_986] : memref<1000000x32xf32, #tpu.memory_space<hbm>> -> memref<512x32xf32, #tpu.memory_space<hbm>>
      %dma_wait3A_988 = arith.constant 0 : i32
      %dma_wait3A_989 = arith.constant 0 : i32
      %dma_wait3A_990 = tpu.memref_slice %arg6[%dma_wait3A_980, %dma_wait3A_988, %dma_wait3A_989] : memref<4x512x32xf32, #tpu.memory_space<vmem>> -> memref<1x512x32xf32, #tpu.memory_space<vmem>>
      %dma_wait3A_991 = tpu.memref_squeeze %dma_wait3A_990 : memref<1x512x32xf32, #tpu.memory_space<vmem>> -> memref<512x32xf32, #tpu.memory_space<vmem>>
      %dma_wait3A_992 = arith.constant 0 : i32
      %dma_wait3A_993 = arith.constant 0 : i32
      %dma_wait3A_994 = tpu.memref_slice %arg3[%dma_wait3A_992, %dma_wait3A_993] : memref<1000000x32xf32, #tpu.memory_space<hbm>> -> memref<512x32xf32, #tpu.memory_space<hbm>>
      tpu.wait_dma2 semaphore(%arg8 : memref<!tpu.dma_semaphore, #tpu.memory_space<semaphore_mem>>) src(%dma_wait3A_994 : memref<512x32xf32, #tpu.memory_space<hbm>>) dst(%dma_wait3A_991 : memref<512x32xf32, #tpu.memory_space<vmem>>)
      %dma_start3A_995 = arith.constant 1 : i32
      %dma_start3A_996 = arith.constant 0 : i32
      %dma_start3A_997 = arith.constant 0 : i32
      %dma_start3A_998 = tpu.memref_slice %arg6[%dma_start3A_995, %dma_start3A_996, %dma_start3A_997] : memref<4x512x32xf32, #tpu.memory_space<vmem>> -> memref<1x512x32xf32, #tpu.memory_space<vmem>>
      %dma_start3A_999 = tpu.memref_squeeze %dma_start3A_998 : memref<1x512x32xf32, #tpu.memory_space<vmem>> -> memref<512x32xf32, #tpu.memory_space<vmem>>
      %dma_start3A_1000 = arith.constant 0 : i32
      %dma_start3A_1001 = tpu.memref_slice %arg4[%add3A_914, %mul3A_2, %dma_start3A_1000] : memref<50x16384x32xf32, #tpu.memory_space<hbm>> -> memref<1x512x32xf32, #tpu.memory_space<hbm>>
      %dma_start3A_1002 = tpu.memref_squeeze %dma_start3A_1001 : memref<1x512x32xf32, #tpu.memory_space<hbm>> -> memref<512x32xf32, #tpu.memory_space<hbm>>
      %dma_start3A_1003 = arith.constant 0 : i32
      %dma_start3A_1004 = tpu.memref_slice %arg4[%add3A_914, %mul3A_2, %dma_start3A_1003] : memref<50x16384x32xf32, #tpu.memory_space<hbm>> -> memref<1x512x32xf32, #tpu.memory_space<hbm>>
      %dma_start3A_1005 = tpu.memref_squeeze %dma_start3A_1004 : memref<1x512x32xf32, #tpu.memory_space<hbm>> -> memref<512x32xf32, #tpu.memory_space<hbm>>
      %dma_start3A_1006 = arith.constant 0 : i32
      %dma_start3A_1007 = arith.constant 0 : i32
      %dma_start3A_1008 = tpu.memref_slice %arg6[%dma_start3A_995, %dma_start3A_1006, %dma_start3A_1007] : memref<4x512x32xf32, #tpu.memory_space<vmem>> -> memref<1x512x32xf32, #tpu.memory_space<vmem>>
      %dma_start3A_1009 = tpu.memref_squeeze %dma_start3A_1008 : memref<1x512x32xf32, #tpu.memory_space<vmem>> -> memref<512x32xf32, #tpu.memory_space<vmem>>
      tpu.enqueue_dma source(%dma_start3A_1009 : memref<512x32xf32, #tpu.memory_space<vmem>>) target(%dma_start3A_1005 : memref<512x32xf32, #tpu.memory_space<hbm>>) target_semaphore(%arg12 : memref<!tpu.dma_semaphore, #tpu.memory_space<semaphore_mem>>)
    }
    %scan3A_286 = arith.constant 11 : i32
    %dma_wait3A_287 = arith.constant 0 : i32
    %dma_wait3A_288 = arith.constant 0 : i32
    %dma_wait3A_289 = arith.constant 0 : i32
    %dma_wait3A_290 = tpu.memref_slice %arg6[%dma_wait3A_287, %dma_wait3A_288, %dma_wait3A_289] : memref<4x512x32xf32, #tpu.memory_space<vmem>> -> memref<1x512x32xf32, #tpu.memory_space<vmem>>
    %dma_wait3A_291 = tpu.memref_squeeze %dma_wait3A_290 : memref<1x512x32xf32, #tpu.memory_space<vmem>> -> memref<512x32xf32, #tpu.memory_space<vmem>>
    %dma_wait3A_292 = arith.constant 0 : i32
    %dma_wait3A_293 = arith.constant 0 : i32
    %dma_wait3A_294 = tpu.memref_slice %arg3[%dma_wait3A_292, %dma_wait3A_293] : memref<1000000x32xf32, #tpu.memory_space<hbm>> -> memref<512x32xf32, #tpu.memory_space<hbm>>
    %dma_wait3A_295 = arith.constant 0 : i32
    %dma_wait3A_296 = arith.constant 0 : i32
    %dma_wait3A_297 = tpu.memref_slice %arg6[%dma_wait3A_287, %dma_wait3A_295, %dma_wait3A_296] : memref<4x512x32xf32, #tpu.memory_space<vmem>> -> memref<1x512x32xf32, #tpu.memory_space<vmem>>
    %dma_wait3A_298 = tpu.memref_squeeze %dma_wait3A_297 : memref<1x512x32xf32, #tpu.memory_space<vmem>> -> memref<512x32xf32, #tpu.memory_space<vmem>>
    %dma_wait3A_299 = arith.constant 0 : i32
    %dma_wait3A_300 = arith.constant 0 : i32
    %dma_wait3A_301 = tpu.memref_slice %arg3[%dma_wait3A_299, %dma_wait3A_300] : memref<1000000x32xf32, #tpu.memory_space<hbm>> -> memref<512x32xf32, #tpu.memory_space<hbm>>
    tpu.wait_dma2 semaphore(%arg11 : memref<!tpu.dma_semaphore, #tpu.memory_space<semaphore_mem>>) src(%dma_wait3A_301 : memref<512x32xf32, #tpu.memory_space<hbm>>) dst(%dma_wait3A_298 : memref<512x32xf32, #tpu.memory_space<vmem>>)
    %dma_start3A_302 = arith.constant 0 : i32
    %dma_start3A_303 = arith.constant 48 : i32
    %dma_start3A_304 = arith.constant 0 : i32
    %dma_start3A_305 = arith.constant 0 : i32
    %dma_start3A_306 = arith.constant 0 : i32
    %dma_start3A_307 = tpu.memref_slice %arg6[%dma_start3A_304, %dma_start3A_305, %dma_start3A_306] : memref<4x512x32xf32, #tpu.memory_space<vmem>> -> memref<1x128x32xf32, #tpu.memory_space<vmem>>
    %dma_start3A_308 = tpu.memref_squeeze %dma_start3A_307 : memref<1x128x32xf32, #tpu.memory_space<vmem>> -> memref<128x32xf32, #tpu.memory_space<vmem>>
    %dma_start3A_309 = arith.constant 0 : i32
    %dma_start3A_310 = tpu.memref_slice %arg5[%dma_start3A_302, %dma_start3A_303, %dma_start3A_309] : memref<4x50x128xi32, #tpu.memory_space<vmem>> -> memref<1x1x128xi32, #tpu.memory_space<vmem>>
    %dma_start3A_311 = tpu.memref_squeeze %dma_start3A_310 : memref<1x1x128xi32, #tpu.memory_space<vmem>> -> memref<128xi32, #tpu.memory_space<vmem>>
    %dma_start3A_312 = arith.constant 0 : i32
    %dma_start3A_313 = arith.constant 0 : i32
    %dma_start3A_314 = tpu.memref_slice %arg3[%dma_start3A_312, %dma_start3A_313] : memref<1000000x32xf32, #tpu.memory_space<hbm>> -> memref<1000000x32xf32, #tpu.memory_space<hbm>>
    tpu.enqueue_indirect_dma source(%dma_start3A_314 : memref<1000000x32xf32, #tpu.memory_space<hbm>>) target(%dma_start3A_308 : memref<128x32xf32, #tpu.memory_space<vmem>>) offsets(%dma_start3A_311 : memref<128xi32, #tpu.memory_space<vmem>>) semaphore(%arg7 : memref<!tpu.dma_semaphore, #tpu.memory_space<semaphore_mem>>)
    %dma_start3A_315 = arith.constant 1 : i32
    %dma_start3A_316 = arith.constant 48 : i32
    %dma_start3A_317 = arith.constant 0 : i32
    %dma_start3A_318 = arith.constant 128 : i32
    %dma_start3A_319 = arith.constant 0 : i32
    %dma_start3A_320 = tpu.memref_slice %arg6[%dma_start3A_317, %dma_start3A_318, %dma_start3A_319] : memref<4x512x32xf32, #tpu.memory_space<vmem>> -> memref<1x128x32xf32, #tpu.memory_space<vmem>>
    %dma_start3A_321 = tpu.memref_squeeze %dma_start3A_320 : memref<1x128x32xf32, #tpu.memory_space<vmem>> -> memref<128x32xf32, #tpu.memory_space<vmem>>
    %dma_start3A_322 = arith.constant 0 : i32
    %dma_start3A_323 = tpu.memref_slice %arg5[%dma_start3A_315, %dma_start3A_316, %dma_start3A_322] : memref<4x50x128xi32, #tpu.memory_space<vmem>> -> memref<1x1x128xi32, #tpu.memory_space<vmem>>
    %dma_start3A_324 = tpu.memref_squeeze %dma_start3A_323 : memref<1x1x128xi32, #tpu.memory_space<vmem>> -> memref<128xi32, #tpu.memory_space<vmem>>
    %dma_start3A_325 = arith.constant 0 : i32
    %dma_start3A_326 = arith.constant 0 : i32
    %dma_start3A_327 = tpu.memref_slice %arg3[%dma_start3A_325, %dma_start3A_326] : memref<1000000x32xf32, #tpu.memory_space<hbm>> -> memref<1000000x32xf32, #tpu.memory_space<hbm>>
    tpu.enqueue_indirect_dma source(%dma_start3A_327 : memref<1000000x32xf32, #tpu.memory_space<hbm>>) target(%dma_start3A_321 : memref<128x32xf32, #tpu.memory_space<vmem>>) offsets(%dma_start3A_324 : memref<128xi32, #tpu.memory_space<vmem>>) semaphore(%arg7 : memref<!tpu.dma_semaphore, #tpu.memory_space<semaphore_mem>>)
    %dma_start3A_328 = arith.constant 2 : i32
    %dma_start3A_329 = arith.constant 48 : i32
    %dma_start3A_330 = arith.constant 0 : i32
    %dma_start3A_331 = arith.constant 256 : i32
    %dma_start3A_332 = arith.constant 0 : i32
    %dma_start3A_333 = tpu.memref_slice %arg6[%dma_start3A_330, %dma_start3A_331, %dma_start3A_332] : memref<4x512x32xf32, #tpu.memory_space<vmem>> -> memref<1x128x32xf32, #tpu.memory_space<vmem>>
    %dma_start3A_334 = tpu.memref_squeeze %dma_start3A_333 : memref<1x128x32xf32, #tpu.memory_space<vmem>> -> memref<128x32xf32, #tpu.memory_space<vmem>>
    %dma_start3A_335 = arith.constant 0 : i32
    %dma_start3A_336 = tpu.memref_slice %arg5[%dma_start3A_328, %dma_start3A_329, %dma_start3A_335] : memref<4x50x128xi32, #tpu.memory_space<vmem>> -> memref<1x1x128xi32, #tpu.memory_space<vmem>>
    %dma_start3A_337 = tpu.memref_squeeze %dma_start3A_336 : memref<1x1x128xi32, #tpu.memory_space<vmem>> -> memref<128xi32, #tpu.memory_space<vmem>>
    %dma_start3A_338 = arith.constant 0 : i32
    %dma_start3A_339 = arith.constant 0 : i32
    %dma_start3A_340 = tpu.memref_slice %arg3[%dma_start3A_338, %dma_start3A_339] : memref<1000000x32xf32, #tpu.memory_space<hbm>> -> memref<1000000x32xf32, #tpu.memory_space<hbm>>
    tpu.enqueue_indirect_dma source(%dma_start3A_340 : memref<1000000x32xf32, #tpu.memory_space<hbm>>) target(%dma_start3A_334 : memref<128x32xf32, #tpu.memory_space<vmem>>) offsets(%dma_start3A_337 : memref<128xi32, #tpu.memory_space<vmem>>) semaphore(%arg7 : memref<!tpu.dma_semaphore, #tpu.memory_space<semaphore_mem>>)
    %dma_start3A_341 = arith.constant 3 : i32
    %dma_start3A_342 = arith.constant 48 : i32
    %dma_start3A_343 = arith.constant 0 : i32
    %dma_start3A_344 = arith.constant 384 : i32
    %dma_start3A_345 = arith.constant 0 : i32
    %dma_start3A_346 = tpu.memref_slice %arg6[%dma_start3A_343, %dma_start3A_344, %dma_start3A_345] : memref<4x512x32xf32, #tpu.memory_space<vmem>> -> memref<1x128x32xf32, #tpu.memory_space<vmem>>
    %dma_start3A_347 = tpu.memref_squeeze %dma_start3A_346 : memref<1x128x32xf32, #tpu.memory_space<vmem>> -> memref<128x32xf32, #tpu.memory_space<vmem>>
    %dma_start3A_348 = arith.constant 0 : i32
    %dma_start3A_349 = tpu.memref_slice %arg5[%dma_start3A_341, %dma_start3A_342, %dma_start3A_348] : memref<4x50x128xi32, #tpu.memory_space<vmem>> -> memref<1x1x128xi32, #tpu.memory_space<vmem>>
    %dma_start3A_350 = tpu.memref_squeeze %dma_start3A_349 : memref<1x1x128xi32, #tpu.memory_space<vmem>> -> memref<128xi32, #tpu.memory_space<vmem>>
    %dma_start3A_351 = arith.constant 0 : i32
    %dma_start3A_352 = arith.constant 0 : i32
    %dma_start3A_353 = tpu.memref_slice %arg3[%dma_start3A_351, %dma_start3A_352] : memref<1000000x32xf32, #tpu.memory_space<hbm>> -> memref<1000000x32xf32, #tpu.memory_space<hbm>>
    tpu.enqueue_indirect_dma source(%dma_start3A_353 : memref<1000000x32xf32, #tpu.memory_space<hbm>>) target(%dma_start3A_347 : memref<128x32xf32, #tpu.memory_space<vmem>>) offsets(%dma_start3A_350 : memref<128xi32, #tpu.memory_space<vmem>>) semaphore(%arg7 : memref<!tpu.dma_semaphore, #tpu.memory_space<semaphore_mem>>)
    %dma_wait3A_354 = arith.constant 2 : i32
    %dma_wait3A_355 = arith.constant 0 : i32
    %dma_wait3A_356 = arith.constant 0 : i32
    %dma_wait3A_357 = tpu.memref_slice %arg6[%dma_wait3A_354, %dma_wait3A_355, %dma_wait3A_356] : memref<4x512x32xf32, #tpu.memory_space<vmem>> -> memref<1x512x32xf32, #tpu.memory_space<vmem>>
    %dma_wait3A_358 = tpu.memref_squeeze %dma_wait3A_357 : memref<1x512x32xf32, #tpu.memory_space<vmem>> -> memref<512x32xf32, #tpu.memory_space<vmem>>
    %dma_wait3A_359 = arith.constant 0 : i32
    %dma_wait3A_360 = arith.constant 0 : i32
    %dma_wait3A_361 = tpu.memref_slice %arg3[%dma_wait3A_359, %dma_wait3A_360] : memref<1000000x32xf32, #tpu.memory_space<hbm>> -> memref<512x32xf32, #tpu.memory_space<hbm>>
    %dma_wait3A_362 = arith.constant 0 : i32
    %dma_wait3A_363 = arith.constant 0 : i32
    %dma_wait3A_364 = tpu.memref_slice %arg6[%dma_wait3A_354, %dma_wait3A_362, %dma_wait3A_363] : memref<4x512x32xf32, #tpu.memory_space<vmem>> -> memref<1x512x32xf32, #tpu.memory_space<vmem>>
    %dma_wait3A_365 = tpu.memref_squeeze %dma_wait3A_364 : memref<1x512x32xf32, #tpu.memory_space<vmem>> -> memref<512x32xf32, #tpu.memory_space<vmem>>
    %dma_wait3A_366 = arith.constant 0 : i32
    %dma_wait3A_367 = arith.constant 0 : i32
    %dma_wait3A_368 = tpu.memref_slice %arg3[%dma_wait3A_366, %dma_wait3A_367] : memref<1000000x32xf32, #tpu.memory_space<hbm>> -> memref<512x32xf32, #tpu.memory_space<hbm>>
    tpu.wait_dma2 semaphore(%arg9 : memref<!tpu.dma_semaphore, #tpu.memory_space<semaphore_mem>>) src(%dma_wait3A_368 : memref<512x32xf32, #tpu.memory_space<hbm>>) dst(%dma_wait3A_365 : memref<512x32xf32, #tpu.memory_space<vmem>>)
    %dma_start3A_369 = arith.constant 2 : i32
    %dma_start3A_370 = arith.constant 46 : i32
    %dma_start3A_371 = arith.constant 0 : i32
    %dma_start3A_372 = arith.constant 0 : i32
    %dma_start3A_373 = tpu.memref_slice %arg6[%dma_start3A_369, %dma_start3A_371, %dma_start3A_372] : memref<4x512x32xf32, #tpu.memory_space<vmem>> -> memref<1x512x32xf32, #tpu.memory_space<vmem>>
    %dma_start3A_374 = tpu.memref_squeeze %dma_start3A_373 : memref<1x512x32xf32, #tpu.memory_space<vmem>> -> memref<512x32xf32, #tpu.memory_space<vmem>>
    %dma_start3A_375 = arith.constant 0 : i32
    %dma_start3A_376 = tpu.memref_slice %arg4[%dma_start3A_370, %mul3A_2, %dma_start3A_375] : memref<50x16384x32xf32, #tpu.memory_space<hbm>> -> memref<1x512x32xf32, #tpu.memory_space<hbm>>
    %dma_start3A_377 = tpu.memref_squeeze %dma_start3A_376 : memref<1x512x32xf32, #tpu.memory_space<hbm>> -> memref<512x32xf32, #tpu.memory_space<hbm>>
    %dma_start3A_378 = arith.constant 0 : i32
    %dma_start3A_379 = tpu.memref_slice %arg4[%dma_start3A_370, %mul3A_2, %dma_start3A_378] : memref<50x16384x32xf32, #tpu.memory_space<hbm>> -> memref<1x512x32xf32, #tpu.memory_space<hbm>>
    %dma_start3A_380 = tpu.memref_squeeze %dma_start3A_379 : memref<1x512x32xf32, #tpu.memory_space<hbm>> -> memref<512x32xf32, #tpu.memory_space<hbm>>
    %dma_start3A_381 = arith.constant 0 : i32
    %dma_start3A_382 = arith.constant 0 : i32
    %dma_start3A_383 = tpu.memref_slice %arg6[%dma_start3A_369, %dma_start3A_381, %dma_start3A_382] : memref<4x512x32xf32, #tpu.memory_space<vmem>> -> memref<1x512x32xf32, #tpu.memory_space<vmem>>
    %dma_start3A_384 = tpu.memref_squeeze %dma_start3A_383 : memref<1x512x32xf32, #tpu.memory_space<vmem>> -> memref<512x32xf32, #tpu.memory_space<vmem>>
    tpu.enqueue_dma source(%dma_start3A_384 : memref<512x32xf32, #tpu.memory_space<vmem>>) target(%dma_start3A_380 : memref<512x32xf32, #tpu.memory_space<hbm>>) target_semaphore(%arg13 : memref<!tpu.dma_semaphore, #tpu.memory_space<semaphore_mem>>)
    %dma_wait3A_385 = arith.constant 1 : i32
    %dma_wait3A_386 = arith.constant 0 : i32
    %dma_wait3A_387 = arith.constant 0 : i32
    %dma_wait3A_388 = tpu.memref_slice %arg6[%dma_wait3A_385, %dma_wait3A_386, %dma_wait3A_387] : memref<4x512x32xf32, #tpu.memory_space<vmem>> -> memref<1x512x32xf32, #tpu.memory_space<vmem>>
    %dma_wait3A_389 = tpu.memref_squeeze %dma_wait3A_388 : memref<1x512x32xf32, #tpu.memory_space<vmem>> -> memref<512x32xf32, #tpu.memory_space<vmem>>
    %dma_wait3A_390 = arith.constant 0 : i32
    %dma_wait3A_391 = arith.constant 0 : i32
    %dma_wait3A_392 = tpu.memref_slice %arg3[%dma_wait3A_390, %dma_wait3A_391] : memref<1000000x32xf32, #tpu.memory_space<hbm>> -> memref<512x32xf32, #tpu.memory_space<hbm>>
    %dma_wait3A_393 = arith.constant 0 : i32
    %dma_wait3A_394 = arith.constant 0 : i32
    %dma_wait3A_395 = tpu.memref_slice %arg6[%dma_wait3A_385, %dma_wait3A_393, %dma_wait3A_394] : memref<4x512x32xf32, #tpu.memory_space<vmem>> -> memref<1x512x32xf32, #tpu.memory_space<vmem>>
    %dma_wait3A_396 = tpu.memref_squeeze %dma_wait3A_395 : memref<1x512x32xf32, #tpu.memory_space<vmem>> -> memref<512x32xf32, #tpu.memory_space<vmem>>
    %dma_wait3A_397 = arith.constant 0 : i32
    %dma_wait3A_398 = arith.constant 0 : i32
    %dma_wait3A_399 = tpu.memref_slice %arg3[%dma_wait3A_397, %dma_wait3A_398] : memref<1000000x32xf32, #tpu.memory_space<hbm>> -> memref<512x32xf32, #tpu.memory_space<hbm>>
    tpu.wait_dma2 semaphore(%arg12 : memref<!tpu.dma_semaphore, #tpu.memory_space<semaphore_mem>>) src(%dma_wait3A_399 : memref<512x32xf32, #tpu.memory_space<hbm>>) dst(%dma_wait3A_396 : memref<512x32xf32, #tpu.memory_space<vmem>>)
    %dma_start3A_400 = arith.constant 0 : i32
    %dma_start3A_401 = arith.constant 49 : i32
    %dma_start3A_402 = arith.constant 1 : i32
    %dma_start3A_403 = arith.constant 0 : i32
    %dma_start3A_404 = arith.constant 0 : i32
    %dma_start3A_405 = tpu.memref_slice %arg6[%dma_start3A_402, %dma_start3A_403, %dma_start3A_404] : memref<4x512x32xf32, #tpu.memory_space<vmem>> -> memref<1x128x32xf32, #tpu.memory_space<vmem>>
    %dma_start3A_406 = tpu.memref_squeeze %dma_start3A_405 : memref<1x128x32xf32, #tpu.memory_space<vmem>> -> memref<128x32xf32, #tpu.memory_space<vmem>>
    %dma_start3A_407 = arith.constant 0 : i32
    %dma_start3A_408 = tpu.memref_slice %arg5[%dma_start3A_400, %dma_start3A_401, %dma_start3A_407] : memref<4x50x128xi32, #tpu.memory_space<vmem>> -> memref<1x1x128xi32, #tpu.memory_space<vmem>>
    %dma_start3A_409 = tpu.memref_squeeze %dma_start3A_408 : memref<1x1x128xi32, #tpu.memory_space<vmem>> -> memref<128xi32, #tpu.memory_space<vmem>>
    %dma_start3A_410 = arith.constant 0 : i32
    %dma_start3A_411 = arith.constant 0 : i32
    %dma_start3A_412 = tpu.memref_slice %arg3[%dma_start3A_410, %dma_start3A_411] : memref<1000000x32xf32, #tpu.memory_space<hbm>> -> memref<1000000x32xf32, #tpu.memory_space<hbm>>
    tpu.enqueue_indirect_dma source(%dma_start3A_412 : memref<1000000x32xf32, #tpu.memory_space<hbm>>) target(%dma_start3A_406 : memref<128x32xf32, #tpu.memory_space<vmem>>) offsets(%dma_start3A_409 : memref<128xi32, #tpu.memory_space<vmem>>) semaphore(%arg8 : memref<!tpu.dma_semaphore, #tpu.memory_space<semaphore_mem>>)
    %dma_start3A_413 = arith.constant 1 : i32
    %dma_start3A_414 = arith.constant 49 : i32
    %dma_start3A_415 = arith.constant 1 : i32
    %dma_start3A_416 = arith.constant 128 : i32
    %dma_start3A_417 = arith.constant 0 : i32
    %dma_start3A_418 = tpu.memref_slice %arg6[%dma_start3A_415, %dma_start3A_416, %dma_start3A_417] : memref<4x512x32xf32, #tpu.memory_space<vmem>> -> memref<1x128x32xf32, #tpu.memory_space<vmem>>
    %dma_start3A_419 = tpu.memref_squeeze %dma_start3A_418 : memref<1x128x32xf32, #tpu.memory_space<vmem>> -> memref<128x32xf32, #tpu.memory_space<vmem>>
    %dma_start3A_420 = arith.constant 0 : i32
    %dma_start3A_421 = tpu.memref_slice %arg5[%dma_start3A_413, %dma_start3A_414, %dma_start3A_420] : memref<4x50x128xi32, #tpu.memory_space<vmem>> -> memref<1x1x128xi32, #tpu.memory_space<vmem>>
    %dma_start3A_422 = tpu.memref_squeeze %dma_start3A_421 : memref<1x1x128xi32, #tpu.memory_space<vmem>> -> memref<128xi32, #tpu.memory_space<vmem>>
    %dma_start3A_423 = arith.constant 0 : i32
    %dma_start3A_424 = arith.constant 0 : i32
    %dma_start3A_425 = tpu.memref_slice %arg3[%dma_start3A_423, %dma_start3A_424] : memref<1000000x32xf32, #tpu.memory_space<hbm>> -> memref<1000000x32xf32, #tpu.memory_space<hbm>>
    tpu.enqueue_indirect_dma source(%dma_start3A_425 : memref<1000000x32xf32, #tpu.memory_space<hbm>>) target(%dma_start3A_419 : memref<128x32xf32, #tpu.memory_space<vmem>>) offsets(%dma_start3A_422 : memref<128xi32, #tpu.memory_space<vmem>>) semaphore(%arg8 : memref<!tpu.dma_semaphore, #tpu.memory_space<semaphore_mem>>)
    %dma_start3A_426 = arith.constant 2 : i32
    %dma_start3A_427 = arith.constant 49 : i32
    %dma_start3A_428 = arith.constant 1 : i32
    %dma_start3A_429 = arith.constant 256 : i32
    %dma_start3A_430 = arith.constant 0 : i32
    %dma_start3A_431 = tpu.memref_slice %arg6[%dma_start3A_428, %dma_start3A_429, %dma_start3A_430] : memref<4x512x32xf32, #tpu.memory_space<vmem>> -> memref<1x128x32xf32, #tpu.memory_space<vmem>>
    %dma_start3A_432 = tpu.memref_squeeze %dma_start3A_431 : memref<1x128x32xf32, #tpu.memory_space<vmem>> -> memref<128x32xf32, #tpu.memory_space<vmem>>
    %dma_start3A_433 = arith.constant 0 : i32
    %dma_start3A_434 = tpu.memref_slice %arg5[%dma_start3A_426, %dma_start3A_427, %dma_start3A_433] : memref<4x50x128xi32, #tpu.memory_space<vmem>> -> memref<1x1x128xi32, #tpu.memory_space<vmem>>
    %dma_start3A_435 = tpu.memref_squeeze %dma_start3A_434 : memref<1x1x128xi32, #tpu.memory_space<vmem>> -> memref<128xi32, #tpu.memory_space<vmem>>
    %dma_start3A_436 = arith.constant 0 : i32
    %dma_start3A_437 = arith.constant 0 : i32
    %dma_start3A_438 = tpu.memref_slice %arg3[%dma_start3A_436, %dma_start3A_437] : memref<1000000x32xf32, #tpu.memory_space<hbm>> -> memref<1000000x32xf32, #tpu.memory_space<hbm>>
    tpu.enqueue_indirect_dma source(%dma_start3A_438 : memref<1000000x32xf32, #tpu.memory_space<hbm>>) target(%dma_start3A_432 : memref<128x32xf32, #tpu.memory_space<vmem>>) offsets(%dma_start3A_435 : memref<128xi32, #tpu.memory_space<vmem>>) semaphore(%arg8 : memref<!tpu.dma_semaphore, #tpu.memory_space<semaphore_mem>>)
    %dma_start3A_439 = arith.constant 3 : i32
    %dma_start3A_440 = arith.constant 49 : i32
    %dma_start3A_441 = arith.constant 1 : i32
    %dma_start3A_442 = arith.constant 384 : i32
    %dma_start3A_443 = arith.constant 0 : i32
    %dma_start3A_444 = tpu.memref_slice %arg6[%dma_start3A_441, %dma_start3A_442, %dma_start3A_443] : memref<4x512x32xf32, #tpu.memory_space<vmem>> -> memref<1x128x32xf32, #tpu.memory_space<vmem>>
    %dma_start3A_445 = tpu.memref_squeeze %dma_start3A_444 : memref<1x128x32xf32, #tpu.memory_space<vmem>> -> memref<128x32xf32, #tpu.memory_space<vmem>>
    %dma_start3A_446 = arith.constant 0 : i32
    %dma_start3A_447 = tpu.memref_slice %arg5[%dma_start3A_439, %dma_start3A_440, %dma_start3A_446] : memref<4x50x128xi32, #tpu.memory_space<vmem>> -> memref<1x1x128xi32, #tpu.memory_space<vmem>>
    %dma_start3A_448 = tpu.memref_squeeze %dma_start3A_447 : memref<1x1x128xi32, #tpu.memory_space<vmem>> -> memref<128xi32, #tpu.memory_space<vmem>>
    %dma_start3A_449 = arith.constant 0 : i32
    %dma_start3A_450 = arith.constant 0 : i32
    %dma_start3A_451 = tpu.memref_slice %arg3[%dma_start3A_449, %dma_start3A_450] : memref<1000000x32xf32, #tpu.memory_space<hbm>> -> memref<1000000x32xf32, #tpu.memory_space<hbm>>
    tpu.enqueue_indirect_dma source(%dma_start3A_451 : memref<1000000x32xf32, #tpu.memory_space<hbm>>) target(%dma_start3A_445 : memref<128x32xf32, #tpu.memory_space<vmem>>) offsets(%dma_start3A_448 : memref<128xi32, #tpu.memory_space<vmem>>) semaphore(%arg8 : memref<!tpu.dma_semaphore, #tpu.memory_space<semaphore_mem>>)
    %dma_wait3A_452 = arith.constant 3 : i32
    %dma_wait3A_453 = arith.constant 0 : i32
    %dma_wait3A_454 = arith.constant 0 : i32
    %dma_wait3A_455 = tpu.memref_slice %arg6[%dma_wait3A_452, %dma_wait3A_453, %dma_wait3A_454] : memref<4x512x32xf32, #tpu.memory_space<vmem>> -> memref<1x512x32xf32, #tpu.memory_space<vmem>>
    %dma_wait3A_456 = tpu.memref_squeeze %dma_wait3A_455 : memref<1x512x32xf32, #tpu.memory_space<vmem>> -> memref<512x32xf32, #tpu.memory_space<vmem>>
    %dma_wait3A_457 = arith.constant 0 : i32
    %dma_wait3A_458 = arith.constant 0 : i32
    %dma_wait3A_459 = tpu.memref_slice %arg3[%dma_wait3A_457, %dma_wait3A_458] : memref<1000000x32xf32, #tpu.memory_space<hbm>> -> memref<512x32xf32, #tpu.memory_space<hbm>>
    %dma_wait3A_460 = arith.constant 0 : i32
    %dma_wait3A_461 = arith.constant 0 : i32
    %dma_wait3A_462 = tpu.memref_slice %arg6[%dma_wait3A_452, %dma_wait3A_460, %dma_wait3A_461] : memref<4x512x32xf32, #tpu.memory_space<vmem>> -> memref<1x512x32xf32, #tpu.memory_space<vmem>>
    %dma_wait3A_463 = tpu.memref_squeeze %dma_wait3A_462 : memref<1x512x32xf32, #tpu.memory_space<vmem>> -> memref<512x32xf32, #tpu.memory_space<vmem>>
    %dma_wait3A_464 = arith.constant 0 : i32
    %dma_wait3A_465 = arith.constant 0 : i32
    %dma_wait3A_466 = tpu.memref_slice %arg3[%dma_wait3A_464, %dma_wait3A_465] : memref<1000000x32xf32, #tpu.memory_space<hbm>> -> memref<512x32xf32, #tpu.memory_space<hbm>>
    tpu.wait_dma2 semaphore(%arg10 : memref<!tpu.dma_semaphore, #tpu.memory_space<semaphore_mem>>) src(%dma_wait3A_466 : memref<512x32xf32, #tpu.memory_space<hbm>>) dst(%dma_wait3A_463 : memref<512x32xf32, #tpu.memory_space<vmem>>)
    %dma_start3A_467 = arith.constant 3 : i32
    %dma_start3A_468 = arith.constant 47 : i32
    %dma_start3A_469 = arith.constant 0 : i32
    %dma_start3A_470 = arith.constant 0 : i32
    %dma_start3A_471 = tpu.memref_slice %arg6[%dma_start3A_467, %dma_start3A_469, %dma_start3A_470] : memref<4x512x32xf32, #tpu.memory_space<vmem>> -> memref<1x512x32xf32, #tpu.memory_space<vmem>>
    %dma_start3A_472 = tpu.memref_squeeze %dma_start3A_471 : memref<1x512x32xf32, #tpu.memory_space<vmem>> -> memref<512x32xf32, #tpu.memory_space<vmem>>
    %dma_start3A_473 = arith.constant 0 : i32
    %dma_start3A_474 = tpu.memref_slice %arg4[%dma_start3A_468, %mul3A_2, %dma_start3A_473] : memref<50x16384x32xf32, #tpu.memory_space<hbm>> -> memref<1x512x32xf32, #tpu.memory_space<hbm>>
    %dma_start3A_475 = tpu.memref_squeeze %dma_start3A_474 : memref<1x512x32xf32, #tpu.memory_space<hbm>> -> memref<512x32xf32, #tpu.memory_space<hbm>>
    %dma_start3A_476 = arith.constant 0 : i32
    %dma_start3A_477 = tpu.memref_slice %arg4[%dma_start3A_468, %mul3A_2, %dma_start3A_476] : memref<50x16384x32xf32, #tpu.memory_space<hbm>> -> memref<1x512x32xf32, #tpu.memory_space<hbm>>
    %dma_start3A_478 = tpu.memref_squeeze %dma_start3A_477 : memref<1x512x32xf32, #tpu.memory_space<hbm>> -> memref<512x32xf32, #tpu.memory_space<hbm>>
    %dma_start3A_479 = arith.constant 0 : i32
    %dma_start3A_480 = arith.constant 0 : i32
    %dma_start3A_481 = tpu.memref_slice %arg6[%dma_start3A_467, %dma_start3A_479, %dma_start3A_480] : memref<4x512x32xf32, #tpu.memory_space<vmem>> -> memref<1x512x32xf32, #tpu.memory_space<vmem>>
    %dma_start3A_482 = tpu.memref_squeeze %dma_start3A_481 : memref<1x512x32xf32, #tpu.memory_space<vmem>> -> memref<512x32xf32, #tpu.memory_space<vmem>>
    tpu.enqueue_dma source(%dma_start3A_482 : memref<512x32xf32, #tpu.memory_space<vmem>>) target(%dma_start3A_478 : memref<512x32xf32, #tpu.memory_space<hbm>>) target_semaphore(%arg14 : memref<!tpu.dma_semaphore, #tpu.memory_space<semaphore_mem>>)
    %dma_wait3A_483 = arith.constant 0 : i32
    %dma_wait3A_484 = arith.constant 0 : i32
    %dma_wait3A_485 = arith.constant 0 : i32
    %dma_wait3A_486 = tpu.memref_slice %arg6[%dma_wait3A_483, %dma_wait3A_484, %dma_wait3A_485] : memref<4x512x32xf32, #tpu.memory_space<vmem>> -> memref<1x512x32xf32, #tpu.memory_space<vmem>>
    %dma_wait3A_487 = tpu.memref_squeeze %dma_wait3A_486 : memref<1x512x32xf32, #tpu.memory_space<vmem>> -> memref<512x32xf32, #tpu.memory_space<vmem>>
    %dma_wait3A_488 = arith.constant 0 : i32
    %dma_wait3A_489 = arith.constant 0 : i32
    %dma_wait3A_490 = tpu.memref_slice %arg3[%dma_wait3A_488, %dma_wait3A_489] : memref<1000000x32xf32, #tpu.memory_space<hbm>> -> memref<512x32xf32, #tpu.memory_space<hbm>>
    %dma_wait3A_491 = arith.constant 0 : i32
    %dma_wait3A_492 = arith.constant 0 : i32
    %dma_wait3A_493 = tpu.memref_slice %arg6[%dma_wait3A_483, %dma_wait3A_491, %dma_wait3A_492] : memref<4x512x32xf32, #tpu.memory_space<vmem>> -> memref<1x512x32xf32, #tpu.memory_space<vmem>>
    %dma_wait3A_494 = tpu.memref_squeeze %dma_wait3A_493 : memref<1x512x32xf32, #tpu.memory_space<vmem>> -> memref<512x32xf32, #tpu.memory_space<vmem>>
    %dma_wait3A_495 = arith.constant 0 : i32
    %dma_wait3A_496 = arith.constant 0 : i32
    %dma_wait3A_497 = tpu.memref_slice %arg3[%dma_wait3A_495, %dma_wait3A_496] : memref<1000000x32xf32, #tpu.memory_space<hbm>> -> memref<512x32xf32, #tpu.memory_space<hbm>>
    tpu.wait_dma2 semaphore(%arg7 : memref<!tpu.dma_semaphore, #tpu.memory_space<semaphore_mem>>) src(%dma_wait3A_497 : memref<512x32xf32, #tpu.memory_space<hbm>>) dst(%dma_wait3A_494 : memref<512x32xf32, #tpu.memory_space<vmem>>)
    %dma_start3A_498 = arith.constant 0 : i32
    %dma_start3A_499 = arith.constant 48 : i32
    %dma_start3A_500 = arith.constant 0 : i32
    %dma_start3A_501 = arith.constant 0 : i32
    %dma_start3A_502 = tpu.memref_slice %arg6[%dma_start3A_498, %dma_start3A_500, %dma_start3A_501] : memref<4x512x32xf32, #tpu.memory_space<vmem>> -> memref<1x512x32xf32, #tpu.memory_space<vmem>>
    %dma_start3A_503 = tpu.memref_squeeze %dma_start3A_502 : memref<1x512x32xf32, #tpu.memory_space<vmem>> -> memref<512x32xf32, #tpu.memory_space<vmem>>
    %dma_start3A_504 = arith.constant 0 : i32
    %dma_start3A_505 = tpu.memref_slice %arg4[%dma_start3A_499, %mul3A_2, %dma_start3A_504] : memref<50x16384x32xf32, #tpu.memory_space<hbm>> -> memref<1x512x32xf32, #tpu.memory_space<hbm>>
    %dma_start3A_506 = tpu.memref_squeeze %dma_start3A_505 : memref<1x512x32xf32, #tpu.memory_space<hbm>> -> memref<512x32xf32, #tpu.memory_space<hbm>>
    %dma_start3A_507 = arith.constant 0 : i32
    %dma_start3A_508 = tpu.memref_slice %arg4[%dma_start3A_499, %mul3A_2, %dma_start3A_507] : memref<50x16384x32xf32, #tpu.memory_space<hbm>> -> memref<1x512x32xf32, #tpu.memory_space<hbm>>
    %dma_start3A_509 = tpu.memref_squeeze %dma_start3A_508 : memref<1x512x32xf32, #tpu.memory_space<hbm>> -> memref<512x32xf32, #tpu.memory_space<hbm>>
    %dma_start3A_510 = arith.constant 0 : i32
    %dma_start3A_511 = arith.constant 0 : i32
    %dma_start3A_512 = tpu.memref_slice %arg6[%dma_start3A_498, %dma_start3A_510, %dma_start3A_511] : memref<4x512x32xf32, #tpu.memory_space<vmem>> -> memref<1x512x32xf32, #tpu.memory_space<vmem>>
    %dma_start3A_513 = tpu.memref_squeeze %dma_start3A_512 : memref<1x512x32xf32, #tpu.memory_space<vmem>> -> memref<512x32xf32, #tpu.memory_space<vmem>>
    tpu.enqueue_dma source(%dma_start3A_513 : memref<512x32xf32, #tpu.memory_space<vmem>>) target(%dma_start3A_509 : memref<512x32xf32, #tpu.memory_space<hbm>>) target_semaphore(%arg11 : memref<!tpu.dma_semaphore, #tpu.memory_space<semaphore_mem>>)
    %dma_wait3A_514 = arith.constant 1 : i32
    %dma_wait3A_515 = arith.constant 0 : i32
    %dma_wait3A_516 = arith.constant 0 : i32
    %dma_wait3A_517 = tpu.memref_slice %arg6[%dma_wait3A_514, %dma_wait3A_515, %dma_wait3A_516] : memref<4x512x32xf32, #tpu.memory_space<vmem>> -> memref<1x512x32xf32, #tpu.memory_space<vmem>>
    %dma_wait3A_518 = tpu.memref_squeeze %dma_wait3A_517 : memref<1x512x32xf32, #tpu.memory_space<vmem>> -> memref<512x32xf32, #tpu.memory_space<vmem>>
    %dma_wait3A_519 = arith.constant 0 : i32
    %dma_wait3A_520 = arith.constant 0 : i32
    %dma_wait3A_521 = tpu.memref_slice %arg3[%dma_wait3A_519, %dma_wait3A_520] : memref<1000000x32xf32, #tpu.memory_space<hbm>> -> memref<512x32xf32, #tpu.memory_space<hbm>>
    %dma_wait3A_522 = arith.constant 0 : i32
    %dma_wait3A_523 = arith.constant 0 : i32
    %dma_wait3A_524 = tpu.memref_slice %arg6[%dma_wait3A_514, %dma_wait3A_522, %dma_wait3A_523] : memref<4x512x32xf32, #tpu.memory_space<vmem>> -> memref<1x512x32xf32, #tpu.memory_space<vmem>>
    %dma_wait3A_525 = tpu.memref_squeeze %dma_wait3A_524 : memref<1x512x32xf32, #tpu.memory_space<vmem>> -> memref<512x32xf32, #tpu.memory_space<vmem>>
    %dma_wait3A_526 = arith.constant 0 : i32
    %dma_wait3A_527 = arith.constant 0 : i32
    %dma_wait3A_528 = tpu.memref_slice %arg3[%dma_wait3A_526, %dma_wait3A_527] : memref<1000000x32xf32, #tpu.memory_space<hbm>> -> memref<512x32xf32, #tpu.memory_space<hbm>>
    tpu.wait_dma2 semaphore(%arg8 : memref<!tpu.dma_semaphore, #tpu.memory_space<semaphore_mem>>) src(%dma_wait3A_528 : memref<512x32xf32, #tpu.memory_space<hbm>>) dst(%dma_wait3A_525 : memref<512x32xf32, #tpu.memory_space<vmem>>)
    %dma_start3A_529 = arith.constant 1 : i32
    %dma_start3A_530 = arith.constant 49 : i32
    %dma_start3A_531 = arith.constant 0 : i32
    %dma_start3A_532 = arith.constant 0 : i32
    %dma_start3A_533 = tpu.memref_slice %arg6[%dma_start3A_529, %dma_start3A_531, %dma_start3A_532] : memref<4x512x32xf32, #tpu.memory_space<vmem>> -> memref<1x512x32xf32, #tpu.memory_space<vmem>>
    %dma_start3A_534 = tpu.memref_squeeze %dma_start3A_533 : memref<1x512x32xf32, #tpu.memory_space<vmem>> -> memref<512x32xf32, #tpu.memory_space<vmem>>
    %dma_start3A_535 = arith.constant 0 : i32
    %dma_start3A_536 = tpu.memref_slice %arg4[%dma_start3A_530, %mul3A_2, %dma_start3A_535] : memref<50x16384x32xf32, #tpu.memory_space<hbm>> -> memref<1x512x32xf32, #tpu.memory_space<hbm>>
    %dma_start3A_537 = tpu.memref_squeeze %dma_start3A_536 : memref<1x512x32xf32, #tpu.memory_space<hbm>> -> memref<512x32xf32, #tpu.memory_space<hbm>>
    %dma_start3A_538 = arith.constant 0 : i32
    %dma_start3A_539 = tpu.memref_slice %arg4[%dma_start3A_530, %mul3A_2, %dma_start3A_538] : memref<50x16384x32xf32, #tpu.memory_space<hbm>> -> memref<1x512x32xf32, #tpu.memory_space<hbm>>
    %dma_start3A_540 = tpu.memref_squeeze %dma_start3A_539 : memref<1x512x32xf32, #tpu.memory_space<hbm>> -> memref<512x32xf32, #tpu.memory_space<hbm>>
    %dma_start3A_541 = arith.constant 0 : i32
    %dma_start3A_542 = arith.constant 0 : i32
    %dma_start3A_543 = tpu.memref_slice %arg6[%dma_start3A_529, %dma_start3A_541, %dma_start3A_542] : memref<4x512x32xf32, #tpu.memory_space<vmem>> -> memref<1x512x32xf32, #tpu.memory_space<vmem>>
    %dma_start3A_544 = tpu.memref_squeeze %dma_start3A_543 : memref<1x512x32xf32, #tpu.memory_space<vmem>> -> memref<512x32xf32, #tpu.memory_space<vmem>>
    tpu.enqueue_dma source(%dma_start3A_544 : memref<512x32xf32, #tpu.memory_space<vmem>>) target(%dma_start3A_540 : memref<512x32xf32, #tpu.memory_space<hbm>>) target_semaphore(%arg12 : memref<!tpu.dma_semaphore, #tpu.memory_space<semaphore_mem>>)
    %dma_wait3A_545 = arith.constant 2 : i32
    %dma_wait3A_546 = arith.constant 0 : i32
    %dma_wait3A_547 = arith.constant 0 : i32
    %dma_wait3A_548 = tpu.memref_slice %arg6[%dma_wait3A_545, %dma_wait3A_546, %dma_wait3A_547] : memref<4x512x32xf32, #tpu.memory_space<vmem>> -> memref<1x512x32xf32, #tpu.memory_space<vmem>>
    %dma_wait3A_549 = tpu.memref_squeeze %dma_wait3A_548 : memref<1x512x32xf32, #tpu.memory_space<vmem>> -> memref<512x32xf32, #tpu.memory_space<vmem>>
    %dma_wait3A_550 = arith.constant 0 : i32
    %dma_wait3A_551 = arith.constant 0 : i32
    %dma_wait3A_552 = tpu.memref_slice %arg3[%dma_wait3A_550, %dma_wait3A_551] : memref<1000000x32xf32, #tpu.memory_space<hbm>> -> memref<512x32xf32, #tpu.memory_space<hbm>>
    %dma_wait3A_553 = arith.constant 0 : i32
    %dma_wait3A_554 = arith.constant 0 : i32
    %dma_wait3A_555 = tpu.memref_slice %arg6[%dma_wait3A_545, %dma_wait3A_553, %dma_wait3A_554] : memref<4x512x32xf32, #tpu.memory_space<vmem>> -> memref<1x512x32xf32, #tpu.memory_space<vmem>>
    %dma_wait3A_556 = tpu.memref_squeeze %dma_wait3A_555 : memref<1x512x32xf32, #tpu.memory_space<vmem>> -> memref<512x32xf32, #tpu.memory_space<vmem>>
    %dma_wait3A_557 = arith.constant 0 : i32
    %dma_wait3A_558 = arith.constant 0 : i32
    %dma_wait3A_559 = tpu.memref_slice %arg3[%dma_wait3A_557, %dma_wait3A_558] : memref<1000000x32xf32, #tpu.memory_space<hbm>> -> memref<512x32xf32, #tpu.memory_space<hbm>>
    tpu.wait_dma2 semaphore(%arg13 : memref<!tpu.dma_semaphore, #tpu.memory_space<semaphore_mem>>) src(%dma_wait3A_559 : memref<512x32xf32, #tpu.memory_space<hbm>>) dst(%dma_wait3A_556 : memref<512x32xf32, #tpu.memory_space<vmem>>)
    %dma_wait3A_560 = arith.constant 3 : i32
    %dma_wait3A_561 = arith.constant 0 : i32
    %dma_wait3A_562 = arith.constant 0 : i32
    %dma_wait3A_563 = tpu.memref_slice %arg6[%dma_wait3A_560, %dma_wait3A_561, %dma_wait3A_562] : memref<4x512x32xf32, #tpu.memory_space<vmem>> -> memref<1x512x32xf32, #tpu.memory_space<vmem>>
    %dma_wait3A_564 = tpu.memref_squeeze %dma_wait3A_563 : memref<1x512x32xf32, #tpu.memory_space<vmem>> -> memref<512x32xf32, #tpu.memory_space<vmem>>
    %dma_wait3A_565 = arith.constant 0 : i32
    %dma_wait3A_566 = arith.constant 0 : i32
    %dma_wait3A_567 = tpu.memref_slice %arg3[%dma_wait3A_565, %dma_wait3A_566] : memref<1000000x32xf32, #tpu.memory_space<hbm>> -> memref<512x32xf32, #tpu.memory_space<hbm>>
    %dma_wait3A_568 = arith.constant 0 : i32
    %dma_wait3A_569 = arith.constant 0 : i32
    %dma_wait3A_570 = tpu.memref_slice %arg6[%dma_wait3A_560, %dma_wait3A_568, %dma_wait3A_569] : memref<4x512x32xf32, #tpu.memory_space<vmem>> -> memref<1x512x32xf32, #tpu.memory_space<vmem>>
    %dma_wait3A_571 = tpu.memref_squeeze %dma_wait3A_570 : memref<1x512x32xf32, #tpu.memory_space<vmem>> -> memref<512x32xf32, #tpu.memory_space<vmem>>
    %dma_wait3A_572 = arith.constant 0 : i32
    %dma_wait3A_573 = arith.constant 0 : i32
    %dma_wait3A_574 = tpu.memref_slice %arg3[%dma_wait3A_572, %dma_wait3A_573] : memref<1000000x32xf32, #tpu.memory_space<hbm>> -> memref<512x32xf32, #tpu.memory_space<hbm>>
    tpu.wait_dma2 semaphore(%arg14 : memref<!tpu.dma_semaphore, #tpu.memory_space<semaphore_mem>>) src(%dma_wait3A_574 : memref<512x32xf32, #tpu.memory_space<hbm>>) dst(%dma_wait3A_571 : memref<512x32xf32, #tpu.memory_space<vmem>>)
    %dma_wait3A_575 = arith.constant 0 : i32
    %dma_wait3A_576 = arith.constant 0 : i32
    %dma_wait3A_577 = arith.constant 0 : i32
    %dma_wait3A_578 = tpu.memref_slice %arg6[%dma_wait3A_575, %dma_wait3A_576, %dma_wait3A_577] : memref<4x512x32xf32, #tpu.memory_space<vmem>> -> memref<1x512x32xf32, #tpu.memory_space<vmem>>
    %dma_wait3A_579 = tpu.memref_squeeze %dma_wait3A_578 : memref<1x512x32xf32, #tpu.memory_space<vmem>> -> memref<512x32xf32, #tpu.memory_space<vmem>>
    %dma_wait3A_580 = arith.constant 0 : i32
    %dma_wait3A_581 = arith.constant 0 : i32
    %dma_wait3A_582 = tpu.memref_slice %arg3[%dma_wait3A_580, %dma_wait3A_581] : memref<1000000x32xf32, #tpu.memory_space<hbm>> -> memref<512x32xf32, #tpu.memory_space<hbm>>
    %dma_wait3A_583 = arith.constant 0 : i32
    %dma_wait3A_584 = arith.constant 0 : i32
    %dma_wait3A_585 = tpu.memref_slice %arg6[%dma_wait3A_575, %dma_wait3A_583, %dma_wait3A_584] : memref<4x512x32xf32, #tpu.memory_space<vmem>> -> memref<1x512x32xf32, #tpu.memory_space<vmem>>
    %dma_wait3A_586 = tpu.memref_squeeze %dma_wait3A_585 : memref<1x512x32xf32, #tpu.memory_space<vmem>> -> memref<512x32xf32, #tpu.memory_space<vmem>>
    %dma_wait3A_587 = arith.constant 0 : i32
    %dma_wait3A_588 = arith.constant 0 : i32
    %dma_wait3A_589 = tpu.memref_slice %arg3[%dma_wait3A_587, %dma_wait3A_588] : memref<1000000x32xf32, #tpu.memory_space<hbm>> -> memref<512x32xf32, #tpu.memory_space<hbm>>
    tpu.wait_dma2 semaphore(%arg11 : memref<!tpu.dma_semaphore, #tpu.memory_space<semaphore_mem>>) src(%dma_wait3A_589 : memref<512x32xf32, #tpu.memory_space<hbm>>) dst(%dma_wait3A_586 : memref<512x32xf32, #tpu.memory_space<vmem>>)
    %dma_wait3A_590 = arith.constant 1 : i32
    %dma_wait3A_591 = arith.constant 0 : i32
    %dma_wait3A_592 = arith.constant 0 : i32
    %dma_wait3A_593 = tpu.memref_slice %arg6[%dma_wait3A_590, %dma_wait3A_591, %dma_wait3A_592] : memref<4x512x32xf32, #tpu.memory_space<vmem>> -> memref<1x512x32xf32, #tpu.memory_space<vmem>>
    %dma_wait3A_594 = tpu.memref_squeeze %dma_wait3A_593 : memref<1x512x32xf32, #tpu.memory_space<vmem>> -> memref<512x32xf32, #tpu.memory_space<vmem>>
    %dma_wait3A_595 = arith.constant 0 : i32
    %dma_wait3A_596 = arith.constant 0 : i32
    %dma_wait3A_597 = tpu.memref_slice %arg3[%dma_wait3A_595, %dma_wait3A_596] : memref<1000000x32xf32, #tpu.memory_space<hbm>> -> memref<512x32xf32, #tpu.memory_space<hbm>>
    %dma_wait3A_598 = arith.constant 0 : i32
    %dma_wait3A_599 = arith.constant 0 : i32
    %dma_wait3A_600 = tpu.memref_slice %arg6[%dma_wait3A_590, %dma_wait3A_598, %dma_wait3A_599] : memref<4x512x32xf32, #tpu.memory_space<vmem>> -> memref<1x512x32xf32, #tpu.memory_space<vmem>>
    %dma_wait3A_601 = tpu.memref_squeeze %dma_wait3A_600 : memref<1x512x32xf32, #tpu.memory_space<vmem>> -> memref<512x32xf32, #tpu.memory_space<vmem>>
    %dma_wait3A_602 = arith.constant 0 : i32
    %dma_wait3A_603 = arith.constant 0 : i32
    %dma_wait3A_604 = tpu.memref_slice %arg3[%dma_wait3A_602, %dma_wait3A_603] : memref<1000000x32xf32, #tpu.memory_space<hbm>> -> memref<512x32xf32, #tpu.memory_space<hbm>>
    tpu.wait_dma2 semaphore(%arg12 : memref<!tpu.dma_semaphore, #tpu.memory_space<semaphore_mem>>) src(%dma_wait3A_604 : memref<512x32xf32, #tpu.memory_space<hbm>>) dst(%dma_wait3A_601 : memref<512x32xf32, #tpu.memory_space<vmem>>)
    return
  }
}

</mosaic_0001>

<sc_bundles>
// kernel: _embed.3.cloned.1.call-start
scs
__scs_entry_jumppad:
0x0: {  	(pc) =	sbr.rel $0x88, $3  }
0x1: {  	(tag) =	ssettag $0x0;
	lr =	simm.s32 $0x1  }
0x2: {  	[smem:$0x3F9F] =	sst lr;
	_ =	strace $0xD0000000  }
0x3: {  	_ = 	snop  }
0x4: {  	_ = 	snop  }
0x5: {  	_ = 	snop  }
0x6: {  	_ = 	snop  }
0x7: {  	_ = 	snop  }
__scs_overlays_trampoline_lowered:
0x8: {  	[smem:$0x3FAE] =	sst s0  }
0x9: {  	[smem:$0x3FAF] =	sst s1  }
0xa: {  	[smem:$0x3FB0] =	sst s2  }
0xb: {  	[smem:$0x3FB1] =	sst s3  }
0xc: {  	[smem:$0x3FB2] =	sst s4  }
0xd: {  	[smem:$0x3FB3] =	sst s5  }
0xe: {  	[smem:$0x3FB4] =	sst s6  }
0xf: {  	[smem:$0x3FB5] =	sst s7  }
0x10: {  	[smem:$0x3FB6] =	sst s8  }
0x11: {  	[smem:$0x3FB7] =	sst s9;
	s0 =	simm.s32 @!p0 $0x0  }
0x12: {  	s1 =	sld [smem:$0x3F9D];
	s0 =	simm.s32 @p0 $0x1  }
0x13: {  	[smem:$0x3FB8] =	sst s0;
	s0 =	simm.s32 @!p1 $0x0  }
0x14: {  	s2 =	sld [smem:$0x3F9C];
	s0 =	simm.s32 @p1 $0x1  }
0x15: {  	[smem:$0x3FB9] =	sst s0;
	s0 =	simm.s32 @!p2 $0x0  }
0x16: {  	s3 =	sld [smem:$0x3FDB];
	s0 =	simm.s32 @p2 $0x1  }
0x17: {  	s4 =	simm.s32 $0x1BF5;
	[smem:$0x3FBB] =	sst s0  }
0x18: {  	s0 =	sld [smem:$0x3F9E];
	_ =	swait.ge [sflag:s4], $0x0  }
0x19: {  	s7 =	sld [smem:$0x3F9F]  }
0x1a: {  	s8 =	sadd.s32 $0xFFFFE003, lr  }
0x1b: {  	s9 =	sadd.s32 $0xFFFFFEF7, lr;
	s5 =	simm.s32 $0xFFFFFFFF;
	p2 =	slt.u32 s8, $0xFFFFF086  }
0x1c: {  	p1 =	slt.u32 s9, $0xF7A;
	s5 =	simm.s32 @!p2 $0x0  }
0x1d: {  	s5 =	simm.s32 @p1 $0x1;
	p0 =	seq.s32 s7, s2  }
0x1e: {  	s7 =	smul.u32 @!p0 $0xF7A, s2;
	p2 =	seq.s32 @!p0 s5, $0x0  }
0x1f: {  	s9 =	smul.u32 $0xF7A, s1;
	s8 =	simm.s32 @!p0 $0x1BF5;
	p2 =	por !p2, p0  }
0x20: {  	[sflag:s8] =	ssyncset.s32 @!p0 $0xFFFFF086;
	s6 =	sadd.s32 @!p0 s3, s7;
	s7 =	simm.s32 @!p0 $0x108  }
0x21: {  	s3 =	sadd.s32 s3, s9;
	s6 =	sadd.s32 @!p0 $0x88, s6;
	s7 =	simm.s32 @p2 $0x1082  }
0x22: {  	[simem:s7], [sflag:s8] =	dma.local @!p0 [hbm:s6], $0xF7A  }
0x23: {  	s9 =	sor.u32 $0xD0000000, s2;
	s6 =	simm.s32 $0x108;
	_ =	swait.ge @!p0 [sflag:s8], $0x0  }
0x24: {  	s3 =	sadd.s32 $0x88, s3;
	s6 =	simm.s32 @!p1 $0x1082;
	[sflag:s4] =	ssyncset.s32 $0xFFFFF086  }
0x25: {  	[simem:s6], [sflag:s4] =	dma.local [hbm:s3], $0xF7A  }
0x26: {  	[smem:$0x3F9F] =	sst s1;
	(tag) =	ssettag s2;
	_ =	strace s9  }
0x27: {  	s1 =	sld [smem:$0x3FAF]  }
0x28: {  	s2 =	sld [smem:$0x3FB0]  }
0x29: {  	s4 =	sld [smem:$0x3FB2]  }
0x2a: {  	p0 =	seq.s32 s5, $0x0;
	s5 =	sld [smem:$0x3FB3]  }
0x2b: {  	s6 =	sld [smem:$0x3FB4]  }
0x2c: {  	s7 =	sld [smem:$0x3FB5]  }
0x2d: {  	s3 =	simm.s32 $0x108;
	s8 =	sld [smem:$0x3FB6]  }
0x2e: {  	s3 =	simm.s32 @!p0 $0x1082;
	s9 =	sld [smem:$0x3FB7]  }
0x2f: {  	lr =	sadd.s32 s0, s3;
	s0 =	sld [smem:$0x3FAE]  }
0x30: {  	s3 =	sld [smem:$0x3FB1]  }
0x31: {  	[smem:$0x3FBA] =	sst s10  }
0x32: {  	s10 =	sld [smem:$0x3FB8];
	_ =	sdelay $0x3  }
0x33: {  	p0 =	seq.s32 s10, $0x1;
	s10 =	sld [smem:$0x3FBA];
	_ =	sdelay $0x3  }
0x34: {  	[smem:$0x3FBA] =	sst s10  }
0x35: {  	s10 =	sld [smem:$0x3FB9];
	_ =	sdelay $0x3  }
0x36: {  	p1 =	seq.s32 s10, $0x1;
	s10 =	sld [smem:$0x3FBA];
	_ =	sdelay $0x3  }
0x37: {  	[smem:$0x3FBA] =	sst s10  }
0x38: {  	s10 =	sld [smem:$0x3FBB]  }
0x39: {  	_ = 	snop;
	(pc) =	sbr.ind lr, $3  }
0x3a: {  	_ = 	snop  }
0x3b: {  	_ = 	snop  }
0x3c: {  	p2 =	seq.s32 s10, $0x1;
	s10 =	sld [smem:$0x3FBA]  }
0x3d: {  	_ =	shalt  }
0x3e: {  	_ =	shalt  }
0x3f: {  	_ =	shalt  }
0x40: {  	_ =	shalt  }
0x41: {  	_ =	shalt  }
0x42: {  	_ =	shalt  }
0x43: {  	_ =	shalt  }
0x44: {  	_ =	shalt  }
0x45: {  	_ =	shalt  }
0x46: {  	_ =	shalt  }
0x47: {  	_ =	shalt  }
0x48: {  	_ =	shalt  }
0x49: {  	_ =	shalt  }
0x4a: {  	_ =	shalt  }
0x4b: {  	_ =	shalt  }
0x4c: {  	_ =	shalt  }
0x4d: {  	_ =	shalt  }
0x4e: {  	_ =	shalt  }
0x4f: {  	_ =	shalt  }
0x50: {  	_ =	shalt  }
0x51: {  	_ =	shalt  }
0x52: {  	_ =	shalt  }
0x53: {  	_ =	shalt  }
0x54: {  	_ =	shalt  }
0x55: {  	_ =	shalt  }
0x56: {  	_ =	shalt  }
0x57: {  	_ =	shalt  }
0x58: {  	_ =	shalt  }
0x59: {  	_ =	shalt  }
0x5a: {  	_ =	shalt  }
0x5b: {  	_ =	shalt  }
0x5c: {  	_ =	shalt  }
0x5d: {  	_ =	shalt  }
0x5e: {  	_ =	shalt  }
0x5f: {  	_ =	shalt  }
0x60: {  	_ =	shalt  }
0x61: {  	_ =	shalt  }
0x62: {  	_ =	shalt  }
0x63: {  	_ =	shalt  }
0x64: {  	_ =	shalt  }
0x65: {  	_ =	shalt  }
0x66: {  	_ =	shalt  }
0x67: {  	_ =	shalt  }
0x68: {  	_ =	shalt  }
0x69: {  	_ =	shalt  }
0x6a: {  	_ =	shalt  }
0x6b: {  	_ =	shalt  }
0x6c: {  	_ =	shalt  }
0x6d: {  	_ =	shalt  }
0x6e: {  	_ =	shalt  }
0x6f: {  	_ =	shalt  }
0x70: {  	_ =	shalt  }
0x71: {  	_ =	shalt  }
0x72: {  	_ =	shalt  }
0x73: {  	_ =	shalt  }
0x74: {  	_ =	shalt  }
0x75: {  	_ =	shalt  }
0x76: {  	_ =	shalt  }
0x77: {  	_ =	shalt  }
0x78: {  	_ =	shalt  }
0x79: {  	_ =	shalt  }
0x7a: {  	_ =	shalt  }
0x7b: {  	_ =	shalt  }
0x7c: {  	_ =	shalt  }
0x7d: {  	_ =	shalt  }
0x7e: {  	_ =	shalt  }
0x7f: {  	_ =	shalt  }
0x80: {  	_ =	shalt  }
0x81: {  	_ =	shalt  }
0x82: {  	_ =	shalt  }
0x83: {  	_ =	shalt  }
0x84: {  	_ =	shalt  }
0x85: {  	_ =	shalt  }
0x86: {  	_ =	shalt  }
0x87: {  	_ =	shalt  }
.Lfunc_end0:
.L_simem_size_0:
called_computation.1_lowered:
.L_overlay_start_0:
0x88: {  	s2 =	sld [smem:$0x3FD9]  }
0x89: {  	s3 =	sld [smem:$0x3FFE];
	_ =	sdelay $0x1  }
0x8a: {  	s1 =	srdreg.scid  }
0x8b: {  	s0 =	sand.u32 $0x1, s1  }
0x8c: {  	s17 =	sshll.u32 s0, $0xA;
	s2 =	sadd.s32 s3, s2  }
0x8d: {  	s2 =	sadd.s32 s2, s17  }
0x8e: {  	[smem:$0x3FC6] =	sst s2  }
0x8f: {  	_ = 	snop  }
0x90: {  	s2 =	sld [smem:$0x3FD0];
	(tm) =	ssettm $0x1  }
0x91: {  	s18 =	sld [smem:$0x3FFB];
	_ =	sdelay $0x3  }
0x92: {  	_ =	strace s18  }
0x93: {  	s3 =	sld [smem:$0x3FFC];
	_ =	sdelay $0x3  }
0x94: {  	_ =	strace s3  }
0x95: {  	s3 =	sld [smem:$0x3FFD];
	_ =	sdelay $0x3  }
0x96: {  	_ =	strace s3  }
0x97: {  	_ =	strace $0x8FFFFFFF  }
0x98: {  	s19 =	sld [smem:$0x3FDB];
	_ =	sdelay $0x1  }
0x99: {  	s4 =	simm.s32 $_scs_section_size  }
0x9a: {  	s5 =	simm.s32 $_size__tile_overlayer_lowered;
	s6 =	simm.s32 $_tile_overlayer_lowered  }
0x9b: {  	s22 =	simm.s32 $0x1BFF;
	s21 =	sshll.u32 s6, $0x1;
	s3 =	sadd.s32 s4, s19  }
0x9c: {  	s7 =	simm.s32 $0x0;
	s20 =	sshll.u32 s5, $0x1;
	s5 =	sadd.s32 s21, s3  }
0x9d: {  	[timem:s7], [sflag:s22] =	dma.local [hbm:s5], s20  }
0x9e: {  	_ =	swait.ge [sflag:s22], s20  }
0x9f: {  	s4 =	ssub.s32 $0x0, s20;
	[sflag:s22] =	ssyncset.done $0x0  }
0xa0: {  	[sflag:s22] =	ssyncadd.s32 s4;
	_ =	sdelay $0x1  }
0xa1: {  	s23 =	simm.s32 $0x1B8B  }
0xa2: {  	_ =	swait.ge [sflag:s23], $0x1  }
0xa3: {  	[sflag:s23] =	ssyncset.done $0x0  }
0xa4: {  	s25 =	simm.s32 $0x1B8E;
	s24 =	sld [smem:$0x3FFE];
	[sflag:s23] =	ssyncadd.s32 $0xFFFFFFFF  }
0xa5: {  	s26 =	simm.s32 $execute0_lowered;
	[smem:$0x3FD2] =	sst s25  }
0xa6: {  	s5 =	sshll.u32 s26, $0x1;
	_ =	strace $0x80000046;
	[dreg:$0x1] =	wrdreg $0xFFFFFFFF  }
0xa7: {  	s28 =	simm.s32 $_size_execute0_lowered;
	s3 =	sadd.s32 s3, s5;
	[dreg:$0x0] =	wrdreg $0x0  }
0xa8: {  	s5 =	sshll.u32 s28, $0x1;
	[dreg:$0x2] =	wrdreg s3  }
0xa9: {  	[dreg:$0x3] =	wrdreg s5  }
0xaa: {  	[dreg:$0x4] =	wrdreg $0xC0  }
0xab: {  	_ =	task [dreg:s7], $0x5FFFF  }
0xac: {  	[dreg:$0x1] =	wrdreg $0xFFFFFFFF  }
0xad: {  	[dreg:$0x0] =	wrdreg $0x60  }
0xae: {  	[dreg:$0x2] =	wrdreg s24  }
0xaf: {  	[dreg:$0x3] =	wrdreg s2  }
0xb0: {  	[dreg:$0x4] =	wrdreg $0x9  }
0xb1: {  	_ =	task.clear_ibuf [dreg:s7], $0x5FFFF;
	_ =	strace $0x90000046  }
0xb2: {  	s29 =	simm.s32 $0x9;
	_ =	strace $0x80000048  }
0xb3: {  	_ =	swait.ge [sflag:s29], $0x1  }
0xb4: {  	[sflag:s29] =	ssyncadd.s32 $0xFFFFFFFF  }
0xb5: {  	_ =	strace $0x90000048  }
0xb6: {  	_ =	sfence  }
0xb7: {  	s30 =	sld [smem:$0x0];
	_ =	sdelay $0x2  }
0xb8: {  	s31 =	sshll.u32 s1, $0xD;
	s1 =	sshrl.u32 s1, $0x2  }
0xb9: {  	s3 =	sand.u32 $0x4000, s31;
	s1 =	sadd.s32 s1, s30  }
0xba: {  	s0 =	sor.u32 s3, s0;
	s1 =	sshll.u32 s1, $0x11  }
0xbb: {  	s0 =	sor.u32 s1, s0  }
0xbc: {  	s0 =	sadd.s32 $0x8F2B, s0  }
0xbd: {  	[sflag:s0] =	ssyncadd.remote.s32 $0x1  }
0xbe: {  	_ =	sfence.sel $0xFFFF  }
0xbf: {  	[dreg:$0x0] =	wrdreg $0xFFFFFFFF;
	(pc) =	sbr.abs _section_cstart, $3  }
0xc0: {  	[dreg:$0x1] =	wrdreg $0xFFFFFFFF  }
0xc1: {  	_ =	task.clear_ibuf [dreg:s7], $0x2FFFF;
	_ =	strace $0x9FFFFFFF  }
0xc2: {  	(tm) =	ssettm $0x7FFFFFFF  }
0xc3: {  	_ =	shalt  }
tec
execute0_lowered:
.L_overlay_start_1:
0x0: {  	(tag) =	ssettag $0x1  }
0x1: {  	s0 =	rddreg [dreg:$0x0]  }
0x2: {  	s16 =	rddreg [dreg:$0x1]  }
0x3: {  	s1 =	srdreg.scid;
	s8 =	stileid.u32;
	s3 =	simm.s32 $0x0  }
0x4: {  	s30 =	simm.s32 $0xA400;
	s10 =	simm.s32 $0x1;
	s11 =	simm.s32 $0x12400  }
0x5: {  	s9 =	simm.s32 $0x4;
	s31 =	simm.s32 $0x11400;
	s1 =	sand.u32 $0x1, s1  }
0x6: {  	s2 =	sshll.u32 s8, $0xA;
	[smem:$0x7FF] =	sst s3;
	s19 =	sshll.u32 s8, $0xF  }
0x7: {  	s8 =	simm.s32 $0x13400;
	s4 =	sshll.u32 s1, $0x9;
	s5 =	ssub.s32 $0x2, s1  }
0x8: {  	_ =	strace $0x80000047;
	s1 =	sshll.u32 s1, $0xE;
	s2 =	sor.u32 s4, s2  }
0x9: {  	s6 =	sshrl.u32 s5, $0x1;
	s1 =	sor.u32 s1, s19;
	s4 =	sshrl.u32 s2, $0x3  }
0xa: {  	s12 =	ssub.s32 s5, s6;
	s2 =	sshll.u32 s2, $0x2;
	s28 =	sor.u32 $0x200000, s1  }
0xb: {  	s7 =	sadd.s32 s4, s0;
	s18 =	sadd.s32 s16, s2;
	[dreg:$0xf] =	wrdreg s28  }
0xc: {  	s4 =	sadd.s32 $0xF42E00, s0;
	s0 =	smax.u32 s12, $0x1;
	[dreg:$0x7] =	wrdreg s18  }
0xd: {  	s19 =	simm.s32 $0x80;
	s13 =	sadd.s32 $0xA00, s7;
	[dreg:$0xd] =	wrdreg s0  }
0xe: {  	s24 =	sshrl.u32 s1, $0x3;
	s14 =	sadd.s32 $0xA10, s7;
	[dreg:$0x3] =	wrdreg s13  }
0xf: {  	s26 =	sor.u32 $0x280000, s1;
	s15 =	sadd.s32 $0xA20, s7;
	[dreg:$0x4] =	wrdreg s14  }
0x10: {  	s5 =	simm.s32 $0xE400;
	s17 =	sadd.s32 $0xA30, s7;
	[dreg:$0x5] =	wrdreg s15  }
0x11: {  	s1 =	simm.s32 $0xF400;
	s2 =	sadd.s32 $0x10000, s18;
	[dreg:$0x6] =	wrdreg s17  }
0x12: {  	s6 =	simm.s32 $0x10400;
	s20 =	sadd.s32 $0x2E0000, s18;
	[dreg:$0x8] =	wrdreg s2  }
0x13: {  	s25 =	sadd.s32 s24, s16;
	s21 =	sadd.s32 $0x2F0000, s18;
	[dreg:$0x9] =	wrdreg s20  }
0x14: {  	s29 =	sshrl.u32 s26, $0x3;
	s22 =	sadd.s32 $0x300000, s18;
	[dreg:$0xa] =	wrdreg s21  }
0x15: {  	s12 =	simm.s32 $0x14400;
	s23 =	sadd.s32 $0x310000, s18;
	[dreg:$0xb] =	wrdreg s22  }
0x16: {  	s24 =	simm.s32 $0x6;
	s0 =	sadd.s32 $0x30000, s25;
	[dreg:$0xc] =	wrdreg s23  }
0x17: {  	s25 =	simm.s32 $0x6400;
	s7 =	simm.s32 $0x11400;
	[dreg:$0xe] =	wrdreg s0  }
0x18: {  	s0 =	sadd.s32 s29, s16;
	s13 =	simm.s32 $0x15400;
	s15 =	simm.s32 $0x2  }
0x19: {  	s22 =	simm.s32 $0x5;
	s23 =	simm.s32 $0x3;
	s17 =	simm.s32 $0x7  }
0x1a: {  	s20 =	simm.s32 $0x8;
	s14 =	simm.s32 $0x0;
	[dreg:$0x10] =	wrdreg s0  }
.LBB2_1:
0x1b: {  	[dreg:$0x11] =	wrdreg s14  }
0x1c: {  	s0 =	rddreg [dreg:$0x3];
	s2 =	simm.s32 $0x4000;
	s18 =	simm.s32 $0x9  }
0x1d: {  	[tilespmem:s3], [sflag:$0x9] =	stream.strided.gather [hbm4b:s0+s19], $0x1900, s2, s19, $0x38;
	[tilespmem:$0x16400] =	vst v63  }
0x1e: {  	_ =	swait.ge [sflag:s18], $0x1900  }
0x1f: {  	[sflag:s18] =	ssyncset.done $0x0  }
0x20: {  	s21 =	simm.s32 $0x1900;
	s26 =	rddreg [dreg:$0x4];
	[sflag:s18] =	ssyncadd.s32 $0xFFFFE700  }
0x21: {  	[tilespmem:s21], [sflag:$0x9] =	stream.strided.gather [hbm4b:s26+s19], $0x1900, s2, s19, $0x38;
	[tilespmem:$0x16400] =	vst v63  }
0x22: {  	_ =	swait.ge [sflag:s18], $0x1900  }
0x23: {  	[sflag:s18] =	ssyncset.done $0x0  }
0x24: {  	s26 =	simm.s32 $0x3200;
	s28 =	rddreg [dreg:$0x5];
	[sflag:s18] =	ssyncadd.s32 $0xFFFFE700  }
0x25: {  	[tilespmem:s26], [sflag:$0x9] =	stream.strided.gather [hbm4b:s28+s19], $0x1900, s2, s19, $0x38;
	[tilespmem:$0x16400] =	vst v63  }
0x26: {  	_ =	swait.ge [sflag:s18], $0x1900  }
0x27: {  	[sflag:s18] =	ssyncset.done $0x0  }
0x28: {  	s28 =	simm.s32 $0x4B00;
	s29 =	rddreg [dreg:$0x6];
	[sflag:s18] =	ssyncadd.s32 $0xFFFFE700  }
0x29: {  	[tilespmem:s28], [sflag:$0x9] =	stream.strided.gather [hbm4b:s29+s19], $0x1900, s2, s19, $0x38;
	[tilespmem:$0x16400] =	vst v63  }
0x2a: {  	_ =	swait.ge [sflag:s18], $0x1900  }
0x2b: {  	[sflag:s18] =	ssyncset.done $0x0  }
0x2c: {  	[sflag:s18] =	ssyncadd.s32 $0xFFFFE700  }
0x2d: {  	[tilespmem:s25], [sflag:$0x1] =	stream.indirect.gather [hbm4b:s4+s19], $0x20, s3, s19, $0xb8;
	[tilespmem:$0x16400] =	vst v63  }
0x2e: {  	s18 =	simm.s32 $0x7400  }
0x2f: {  	[tilespmem:s18], [sflag:$0x1] =	stream.indirect.gather [hbm4b:s4+s19], $0x20, s21, s19, $0xb8;
	[tilespmem:$0x16400] =	vst v63  }
0x30: {  	s21 =	simm.s32 $0x8400  }
0x31: {  	[tilespmem:s21], [sflag:$0x1] =	stream.indirect.gather [hbm4b:s4+s19], $0x20, s26, s19, $0xb8;
	[tilespmem:$0x16400] =	vst v63  }
0x32: {  	s26 =	simm.s32 $0x9400  }
0x33: {  	[tilespmem:s26], [sflag:$0x1] =	stream.indirect.gather [hbm4b:s4+s19], $0x20, s28, s19, $0xb8;
	[tilespmem:$0x16400] =	vst v63  }
0x34: {  	_ = 	snop  }
0x35: {  	[tilespmem:s30], [sflag:$0x2] =	stream.indirect.gather [hbm4b:s4+s19], $0x20, s19, s19, $0xb8;
	[tilespmem:$0x16400] =	vst v63  }
0x36: {  	s2 =	simm.s32 $0x1980;
	s28 =	simm.s32 $0xB400  }
0x37: {  	[tilespmem:s28], [sflag:$0x2] =	stream.indirect.gather [hbm4b:s4+s19], $0x20, s2, s19, $0xb8;
	[tilespmem:$0x16400] =	vst v63  }
0x38: {  	s14 =	simm.s32 $0x3280;
	s29 =	simm.s32 $0xC400  }
0x39: {  	[tilespmem:s29], [sflag:$0x2] =	stream.indirect.gather [hbm4b:s4+s19], $0x20, s14, s19, $0xb8;
	[tilespmem:$0x16400] =	vst v63  }
0x3a: {  	s2 =	simm.s32 $0x4B80;
	s14 =	simm.s32 $0xD400  }
0x3b: {  	[tilespmem:s14], [sflag:$0x2] =	stream.indirect.gather [hbm4b:s4+s19], $0x20, s2, s19, $0xb8;
	[tilespmem:$0x16400] =	vst v63  }
0x3c: {  	s14 =	simm.s32 $0x100  }
0x3d: {  	[tilespmem:s5], [sflag:$0x3] =	stream.indirect.gather [hbm4b:s4+s19], $0x20, s14, s19, $0xb8;
	[tilespmem:$0x16400] =	vst v63  }
0x3e: {  	s2 =	simm.s32 $0x1A00  }
0x3f: {  	[tilespmem:s1], [sflag:$0x3] =	stream.indirect.gather [hbm4b:s4+s19], $0x20, s2, s19, $0xb8;
	[tilespmem:$0x16400] =	vst v63  }
0x40: {  	s14 =	simm.s32 $0x3300  }
0x41: {  	[tilespmem:s6], [sflag:$0x3] =	stream.indirect.gather [hbm4b:s4+s19], $0x20, s14, s19, $0xb8;
	[tilespmem:$0x16400] =	vst v63  }
0x42: {  	s1 =	simm.s32 $0x4C00  }
0x43: {  	[tilespmem:s7], [sflag:$0x3] =	stream.indirect.gather [hbm4b:s4+s19], $0x20, s1, s19, $0xb8;
	[tilespmem:$0x16400] =	vst v63  }
0x44: {  	_ =	swait.ge [sflag:s10], $0x4000  }
0x45: {  	[sflag:s10] =	ssyncset.done $0x0  }
0x46: {  	s2 =	rddreg [dreg:$0x7];
	[sflag:s10] =	ssyncadd.s32 $0xFFFFC000  }
0x47: {  	[hbm4b:s2+s3] =	stream.linear.scatter [tilespmem:s25], [sflag:$0x5], $0x4000, $0x38;
	[tilespmem:$0x16400] =	vst v63  }
0x48: {  	s6 =	simm.s32 $0x180  }
0x49: {  	[tilespmem:s11], [sflag:$0x4] =	stream.indirect.gather [hbm4b:s4+s19], $0x20, s6, s19, $0xb8;
	[tilespmem:$0x16400] =	vst v63  }
0x4a: {  	s7 =	simm.s32 $0x1A80  }
0x4b: {  	[tilespmem:s8], [sflag:$0x4] =	stream.indirect.gather [hbm4b:s4+s19], $0x20, s7, s19, $0xb8;
	[tilespmem:$0x16400] =	vst v63  }
0x4c: {  	s8 =	simm.s32 $0x3380  }
0x4d: {  	[tilespmem:s12], [sflag:$0x4] =	stream.indirect.gather [hbm4b:s4+s19], $0x20, s8, s19, $0xb8;
	[tilespmem:$0x16400] =	vst v63  }
0x4e: {  	s12 =	simm.s32 $0x4C80  }
0x4f: {  	[tilespmem:s13], [sflag:$0x4] =	stream.indirect.gather [hbm4b:s4+s19], $0x20, s12, s19, $0xb8;
	[tilespmem:$0x16400] =	vst v63  }
0x50: {  	_ =	swait.ge [sflag:s15], $0x4000  }
0x51: {  	[sflag:s15] =	ssyncset.done $0x0  }
0x52: {  	s13 =	rddreg [dreg:$0x8];
	[sflag:s15] =	ssyncadd.s32 $0xFFFFC000  }
0x53: {  	[hbm4b:s13+s3] =	stream.linear.scatter [tilespmem:s30], [sflag:$0x6], $0x4000, $0x38;
	[tilespmem:$0x16400] =	vst v63  }
0x54: {  	_ =	swait.ge [sflag:s22], $0x4000  }
0x55: {  	[sflag:s22] =	ssyncset.done $0x0  }
0x56: {  	s14 =	simm.s32 $0x200;
	[sflag:s22] =	ssyncadd.s32 $0xFFFFC000  }
0x57: {  	[tilespmem:s25], [sflag:$0x1] =	stream.indirect.gather [hbm4b:s4+s19], $0x20, s14, s19, $0xb8;
	[tilespmem:$0x16400] =	vst v63  }
0x58: {  	s0 =	simm.s32 $0x1B00  }
0x59: {  	[tilespmem:s18], [sflag:$0x1] =	stream.indirect.gather [hbm4b:s4+s19], $0x20, s0, s19, $0xb8;
	[tilespmem:$0x16400] =	vst v63  }
0x5a: {  	s1 =	simm.s32 $0x3400  }
0x5b: {  	[tilespmem:s21], [sflag:$0x1] =	stream.indirect.gather [hbm4b:s4+s19], $0x20, s1, s19, $0xb8;
	[tilespmem:$0x16400] =	vst v63  }
0x5c: {  	s6 =	simm.s32 $0x4D00  }
0x5d: {  	[tilespmem:s26], [sflag:$0x1] =	stream.indirect.gather [hbm4b:s4+s19], $0x20, s6, s19, $0xb8;
	[tilespmem:$0x16400] =	vst v63  }
0x5e: {  	_ =	swait.ge [sflag:s23], $0x4000  }
0x5f: {  	[sflag:s23] =	ssyncset.done $0x0;
	s18 =	rddreg [dreg:$0xe]  }
0x60: {  	[sflag:s23] =	ssyncadd.s32 $0xFFFFC000;
	s7 =	sadd.s32 $0xFFFF0000, s18  }
0x61: {  	[hbm4b:s7+s3] =	stream.linear.scatter [tilespmem:s5], [sflag:$0x7], $0x4000, $0x38;
	[tilespmem:$0x16400] =	vst v63  }
0x62: {  	_ =	swait.ge [sflag:s24], $0x4000  }
0x63: {  	[sflag:s24] =	ssyncset.done $0x0  }
0x64: {  	s12 =	simm.s32 $0x280;
	[sflag:s24] =	ssyncadd.s32 $0xFFFFC000  }
0x65: {  	[tilespmem:s30], [sflag:$0x2] =	stream.indirect.gather [hbm4b:s4+s19], $0x20, s12, s19, $0xb8;
	[tilespmem:$0x16400] =	vst v63  }
0x66: {  	s21 =	simm.s32 $0x1B80  }
0x67: {  	[tilespmem:s28], [sflag:$0x2] =	stream.indirect.gather [hbm4b:s4+s19], $0x20, s21, s19, $0xb8;
	[tilespmem:$0x16400] =	vst v63  }
0x68: {  	s26 =	simm.s32 $0x3480  }
0x69: {  	[tilespmem:s29], [sflag:$0x2] =	stream.indirect.gather [hbm4b:s4+s19], $0x20, s26, s19, $0xb8;
	[tilespmem:$0x16400] =	vst v63  }
0x6a: {  	s28 =	simm.s32 $0x4D80;
	s29 =	simm.s32 $0xD400  }
0x6b: {  	[tilespmem:s29], [sflag:$0x2] =	stream.indirect.gather [hbm4b:s4+s19], $0x20, s28, s19, $0xb8;
	[tilespmem:$0x16400] =	vst v63  }
0x6c: {  	_ =	swait.ge [sflag:s9], $0x4000  }
0x6d: {  	[sflag:s9] =	ssyncset.done $0x0  }
0x6e: {  	[sflag:s9] =	ssyncadd.s32 $0xFFFFC000  }
0x6f: {  	[hbm4b:s18+s3] =	stream.linear.scatter [tilespmem:s11], [sflag:$0x8], $0x4000, $0x38;
	[tilespmem:$0x16400] =	vst v63  }
0x70: {  	_ =	swait.ge [sflag:s17], $0x4000  }
0x71: {  	[sflag:s17] =	ssyncset.done $0x0  }
0x72: {  	s1 =	simm.s32 $0x300;
	[sflag:s17] =	ssyncadd.s32 $0xFFFFC000  }
0x73: {  	[tilespmem:s5], [sflag:$0x3] =	stream.indirect.gather [hbm4b:s4+s19], $0x20, s1, s19, $0xb8;
	[tilespmem:$0x16400] =	vst v63  }
0x74: {  	s13 =	simm.s32 $0xF400;
	s21 =	simm.s32 $0x1C00  }
0x75: {  	[tilespmem:s13], [sflag:$0x3] =	stream.indirect.gather [hbm4b:s4+s19], $0x20, s21, s19, $0xb8;
	[tilespmem:$0x16400] =	vst v63  }
0x76: {  	s14 =	simm.s32 $0x10400;
	s26 =	simm.s32 $0x3500  }
0x77: {  	[tilespmem:s14], [sflag:$0x3] =	stream.indirect.gather [hbm4b:s4+s19], $0x20, s26, s19, $0xb8;
	[tilespmem:$0x16400] =	vst v63  }
0x78: {  	s28 =	simm.s32 $0x4E00  }
0x79: {  	[tilespmem:s31], [sflag:$0x3] =	stream.indirect.gather [hbm4b:s4+s19], $0x20, s28, s19, $0xb8;
	[tilespmem:$0x16400] =	vst v63  }
0x7a: {  	_ =	swait.ge [sflag:s10], $0x4000  }
0x7b: {  	s26 =	rddreg [dreg:$0xf]  }
0x7c: {  	[sflag:s10] =	ssyncset.done $0x0;
	s29 =	sshrl.u32 s26, $0x3  }
0x7d: {  	[sflag:s10] =	ssyncadd.s32 $0xFFFFC000;
	s2 =	sadd.s32 s16, s29  }
0x7e: {  	[hbm4b:s2+s3] =	stream.linear.scatter [tilespmem:s25], [sflag:$0x5], $0x4000, $0x38;
	[tilespmem:$0x16400] =	vst v63  }
0x7f: {  	_ =	swait.ge [sflag:s20], $0x4000  }
0x80: {  	[sflag:s20] =	ssyncset.done $0x0  }
0x81: {  	s0 =	simm.s32 $0x380;
	[sflag:s20] =	ssyncadd.s32 $0xFFFFC000  }
0x82: {  	[tilespmem:s11], [sflag:$0x4] =	stream.indirect.gather [hbm4b:s4+s19], $0x20, s0, s19, $0xb8;
	[tilespmem:$0x16400] =	vst v63  }
0x83: {  	s6 =	simm.s32 $0x13400;
	s1 =	simm.s32 $0x1C80  }
0x84: {  	[tilespmem:s6], [sflag:$0x4] =	stream.indirect.gather [hbm4b:s4+s19], $0x20, s1, s19, $0xb8;
	[tilespmem:$0x16400] =	vst v63  }
0x85: {  	s8 =	simm.s32 $0x15400;
	s7 =	simm.s32 $0x14400;
	s21 =	simm.s32 $0x3580  }
0x86: {  	[tilespmem:s7], [sflag:$0x4] =	stream.indirect.gather [hbm4b:s4+s19], $0x20, s21, s19, $0xb8;
	[tilespmem:$0x16400] =	vst v63  }
0x87: {  	s12 =	simm.s32 $0xD400;
	s18 =	sadd.s32 $0x40000, s18;
	s28 =	simm.s32 $0x4E80  }
0x88: {  	[tilespmem:s8], [sflag:$0x4] =	stream.indirect.gather [hbm4b:s4+s19], $0x20, s28, s19, $0xb8;
	[tilespmem:$0x16400] =	vst v63  }
0x89: {  	s2 =	sadd.s32 $0x200000, s26;
	s0 =	smov.u32 s16;
	_ =	swait.ge [sflag:s15], $0x4000  }
0x8a: {  	s16 =	simm.s32 $0x800;
	[sflag:s15] =	ssyncset.done $0x0;
	s29 =	rddreg [dreg:$0x10]  }
0x8b: {  	s21 =	sadd.s32 $0x40000, s29;
	[sflag:s15] =	ssyncadd.s32 $0xFFFFC000;
	s26 =	smov.u32 s29  }
.LBB2_2:
0x8c: {  	[hbm4b:s26+s3] =	stream.linear.scatter [tilespmem:s30], [sflag:$0x6], $0x4000, $0x38;
	[tilespmem:$0x16400] =	vst v63  }
0x8d: {  	s28 =	smov.u32 s16;
	s26 =	smov.u32 s21  }
0x8e: {  	p0 =	sne.s32 s16, $0x5000;
	s16 =	sadd.s32 $0x800, s16;
	_ =	swait.ge [sflag:s22], $0x4000  }
0x8f: {  	s28 =	sshra.s32 s28, $0x2;
	[sflag:s22] =	ssyncset.done $0x0  }
0x90: {  	s29 =	sadd.s32 $0x200, s28;
	[sflag:s22] =	ssyncadd.s32 $0xFFFFC000  }
0x91: {  	[tilespmem:s25], [sflag:$0x1] =	stream.indirect.gather [hbm4b:s4+s19], $0x20, s29, s19, $0xb8;
	[tilespmem:$0x16400] =	vst v63  }
0x92: {  	s1 =	simm.s32 $0x7400;
	s29 =	sadd.s32 $0x1B00, s28  }
0x93: {  	[tilespmem:s1], [sflag:$0x1] =	stream.indirect.gather [hbm4b:s4+s19], $0x20, s29, s19, $0xb8;
	[tilespmem:$0x16400] =	vst v63  }
0x94: {  	s29 =	sadd.s32 $0x3400, s28;
	s1 =	simm.s32 $0x8400  }
0x95: {  	[tilespmem:s1], [sflag:$0x1] =	stream.indirect.gather [hbm4b:s4+s19], $0x20, s29, s19, $0xb8;
	[tilespmem:$0x16400] =	vst v63  }
0x96: {  	s29 =	sadd.s32 $0x4D00, s28;
	s1 =	simm.s32 $0x9400  }
0x97: {  	[tilespmem:s1], [sflag:$0x1] =	stream.indirect.gather [hbm4b:s4+s19], $0x20, s29, s19, $0xb8;
	[tilespmem:$0x16400] =	vst v63  }
0x98: {  	_ =	swait.ge [sflag:s23], $0x4000  }
0x99: {  	[sflag:s23] =	ssyncset.done $0x0  }
0x9a: {  	s29 =	sadd.s32 $0xFFFF0000, s18;
	[sflag:s23] =	ssyncadd.s32 $0xFFFFC000  }
0x9b: {  	[hbm4b:s29+s3] =	stream.linear.scatter [tilespmem:s5], [sflag:$0x7], $0x4000, $0x38;
	[tilespmem:$0x16400] =	vst v63  }
0x9c: {  	_ =	swait.ge [sflag:s24], $0x4000  }
0x9d: {  	[sflag:s24] =	ssyncset.done $0x0  }
0x9e: {  	s29 =	sadd.s32 $0x280, s28;
	[sflag:s24] =	ssyncadd.s32 $0xFFFFC000  }
0x9f: {  	[tilespmem:s30], [sflag:$0x2] =	stream.indirect.gather [hbm4b:s4+s19], $0x20, s29, s19, $0xb8;
	[tilespmem:$0x16400] =	vst v63  }
0xa0: {  	s1 =	simm.s32 $0xB400;
	s29 =	sadd.s32 $0x1B80, s28  }
0xa1: {  	[tilespmem:s1], [sflag:$0x2] =	stream.indirect.gather [hbm4b:s4+s19], $0x20, s29, s19, $0xb8;
	[tilespmem:$0x16400] =	vst v63  }
0xa2: {  	s29 =	sadd.s32 $0x3480, s28;
	s1 =	simm.s32 $0xC400  }
0xa3: {  	[tilespmem:s1], [sflag:$0x2] =	stream.indirect.gather [hbm4b:s4+s19], $0x20, s29, s19, $0xb8;
	[tilespmem:$0x16400] =	vst v63  }
0xa4: {  	s29 =	sadd.s32 $0x4D80, s28  }
0xa5: {  	[tilespmem:s12], [sflag:$0x2] =	stream.indirect.gather [hbm4b:s4+s19], $0x20, s29, s19, $0xb8;
	[tilespmem:$0x16400] =	vst v63  }
0xa6: {  	_ =	swait.ge [sflag:s9], $0x4000  }
0xa7: {  	[sflag:s9] =	ssyncset.done $0x0  }
0xa8: {  	[sflag:s9] =	ssyncadd.s32 $0xFFFFC000  }
0xa9: {  	[hbm4b:s18+s3] =	stream.linear.scatter [tilespmem:s11], [sflag:$0x8], $0x4000, $0x38;
	[tilespmem:$0x16400] =	vst v63  }
0xaa: {  	_ =	swait.ge [sflag:s17], $0x4000  }
0xab: {  	[sflag:s17] =	ssyncset.done $0x0  }
0xac: {  	s29 =	sadd.s32 $0x300, s28;
	[sflag:s17] =	ssyncadd.s32 $0xFFFFC000  }
0xad: {  	[tilespmem:s5], [sflag:$0x3] =	stream.indirect.gather [hbm4b:s4+s19], $0x20, s29, s19, $0xb8;
	[tilespmem:$0x16400] =	vst v63  }
0xae: {  	s29 =	sadd.s32 $0x1C00, s28  }
0xaf: {  	[tilespmem:s13], [sflag:$0x3] =	stream.indirect.gather [hbm4b:s4+s19], $0x20, s29, s19, $0xb8;
	[tilespmem:$0x16400] =	vst v63  }
0xb0: {  	s29 =	sadd.s32 $0x3500, s28  }
0xb1: {  	[tilespmem:s14], [sflag:$0x3] =	stream.indirect.gather [hbm4b:s4+s19], $0x20, s29, s19, $0xb8;
	[tilespmem:$0x16400] =	vst v63  }
0xb2: {  	s29 =	sadd.s32 $0x4E00, s28  }
0xb3: {  	[tilespmem:s31], [sflag:$0x3] =	stream.indirect.gather [hbm4b:s4+s19], $0x20, s29, s19, $0xb8;
	[tilespmem:$0x16400] =	vst v63  }
0xb4: {  	_ =	swait.ge [sflag:s10], $0x4000  }
0xb5: {  	s29 =	sshrl.u32 s2, $0x3;
	[sflag:s10] =	ssyncset.done $0x0  }
0xb6: {  	s29 =	sadd.s32 s0, s29;
	[sflag:s10] =	ssyncadd.s32 $0xFFFFC000  }
0xb7: {  	[hbm4b:s29+s3] =	stream.linear.scatter [tilespmem:s25], [sflag:$0x5], $0x4000, $0x38;
	[tilespmem:$0x16400] =	vst v63  }
0xb8: {  	_ =	swait.ge [sflag:s20], $0x4000  }
0xb9: {  	[sflag:s20] =	ssyncset.done $0x0  }
0xba: {  	s29 =	sadd.s32 $0x380, s28;
	[sflag:s20] =	ssyncadd.s32 $0xFFFFC000  }
0xbb: {  	[tilespmem:s11], [sflag:$0x4] =	stream.indirect.gather [hbm4b:s4+s19], $0x20, s29, s19, $0xb8;
	[tilespmem:$0x16400] =	vst v63  }
0xbc: {  	s29 =	sadd.s32 $0x1C80, s28  }
0xbd: {  	[tilespmem:s6], [sflag:$0x4] =	stream.indirect.gather [hbm4b:s4+s19], $0x20, s29, s19, $0xb8;
	[tilespmem:$0x16400] =	vst v63  }
0xbe: {  	s29 =	sadd.s32 $0x3580, s28  }
0xbf: {  	[tilespmem:s7], [sflag:$0x4] =	stream.indirect.gather [hbm4b:s4+s19], $0x20, s29, s19, $0xb8;
	[tilespmem:$0x16400] =	vst v63  }
.Ltmp0:
0xc0: {  	s28 =	sadd.s32 $0x4E80, s28;
	(pc) =	sbr.rel @p0 .LBB2_2-.Ltmp0, $4  }
0xc1: {  	[tilespmem:s8], [sflag:$0x4] =	stream.indirect.gather [hbm4b:s4+s19], $0x20, s28, s19, $0xb8;
	[tilespmem:$0x16400] =	vst v63  }
0xc2: {  	_ =	swait.ge [sflag:s15], $0x4000  }
0xc3: {  	s21 =	sadd.s32 $0x40000, s21;
	[sflag:s15] =	ssyncset.done $0x0  }
0xc4: {  	s18 =	sadd.s32 $0x40000, s18;
	s2 =	sadd.s32 $0x200000, s2;
	[sflag:s15] =	ssyncadd.s32 $0xFFFFC000  }
0xc5: {  	[hbm4b:s26+s3] =	stream.linear.scatter [tilespmem:s30], [sflag:$0x6], $0x4000, $0x38;
	[tilespmem:$0x16400] =	vst v63  }
0xc6: {  	_ =	swait.ge [sflag:s22], $0x4000  }
0xc7: {  	[sflag:s22] =	ssyncset.done $0x0  }
0xc8: {  	s1 =	simm.s32 $0x1800;
	[sflag:s22] =	ssyncadd.s32 $0xFFFFC000  }
0xc9: {  	[tilespmem:s25], [sflag:$0x1] =	stream.indirect.gather [hbm4b:s4+s19], $0x20, s1, s19, $0xb8;
	[tilespmem:$0x16400] =	vst v63  }
0xca: {  	s2 =	simm.s32 $0x7400;
	s18 =	simm.s32 $0x3100  }
0xcb: {  	[tilespmem:s2], [sflag:$0x1] =	stream.indirect.gather [hbm4b:s4+s19], $0x20, s18, s19, $0xb8;
	[tilespmem:$0x16400] =	vst v63  }
0xcc: {  	s21 =	simm.s32 $0x8400;
	s26 =	simm.s32 $0x4A00  }
0xcd: {  	[tilespmem:s21], [sflag:$0x1] =	stream.indirect.gather [hbm4b:s4+s19], $0x20, s26, s19, $0xb8;
	[tilespmem:$0x16400] =	vst v63  }
0xce: {  	s28 =	simm.s32 $0x9400;
	s29 =	simm.s32 $0x6300  }
0xcf: {  	[tilespmem:s28], [sflag:$0x1] =	stream.indirect.gather [hbm4b:s4+s19], $0x20, s29, s19, $0xb8;
	[tilespmem:$0x16400] =	vst v63  }
0xd0: {  	_ =	swait.ge [sflag:s23], $0x4000  }
0xd1: {  	[sflag:s23] =	ssyncset.done $0x0  }
0xd2: {  	s6 =	rddreg [dreg:$0x9];
	[sflag:s23] =	ssyncadd.s32 $0xFFFFC000  }
0xd3: {  	[hbm4b:s6+s3] =	stream.linear.scatter [tilespmem:s5], [sflag:$0x7], $0x4000, $0x38;
	[tilespmem:$0x16400] =	vst v63  }
0xd4: {  	_ =	swait.ge [sflag:s24], $0x4000  }
0xd5: {  	[sflag:s24] =	ssyncset.done $0x0  }
0xd6: {  	s7 =	simm.s32 $0x1880;
	[sflag:s24] =	ssyncadd.s32 $0xFFFFC000  }
0xd7: {  	[tilespmem:s30], [sflag:$0x2] =	stream.indirect.gather [hbm4b:s4+s19], $0x20, s7, s19, $0xb8;
	[tilespmem:$0x16400] =	vst v63  }
0xd8: {  	s8 =	simm.s32 $0xB400;
	s13 =	simm.s32 $0x3180  }
0xd9: {  	[tilespmem:s8], [sflag:$0x2] =	stream.indirect.gather [hbm4b:s4+s19], $0x20, s13, s19, $0xb8;
	[tilespmem:$0x16400] =	vst v63  }
0xda: {  	s14 =	simm.s32 $0xC400;
	s16 =	simm.s32 $0x4A80  }
0xdb: {  	[tilespmem:s14], [sflag:$0x2] =	stream.indirect.gather [hbm4b:s4+s19], $0x20, s16, s19, $0xb8;
	[tilespmem:$0x16400] =	vst v63  }
0xdc: {  	s18 =	simm.s32 $0x6380  }
0xdd: {  	[tilespmem:s12], [sflag:$0x2] =	stream.indirect.gather [hbm4b:s4+s19], $0x20, s18, s19, $0xb8;
	[tilespmem:$0x16400] =	vst v63  }
0xde: {  	_ =	swait.ge [sflag:s9], $0x4000  }
0xdf: {  	[sflag:s9] =	ssyncset.done $0x0  }
0xe0: {  	s21 =	rddreg [dreg:$0xa];
	[sflag:s9] =	ssyncadd.s32 $0xFFFFC000  }
0xe1: {  	[hbm4b:s21+s3] =	stream.linear.scatter [tilespmem:s11], [sflag:$0x8], $0x4000, $0x38;
	[tilespmem:$0x16400] =	vst v63  }
0xe2: {  	_ =	swait.ge [sflag:s10], $0x4000  }
0xe3: {  	[sflag:s10] =	ssyncset.done $0x0  }
0xe4: {  	s26 =	rddreg [dreg:$0xb];
	[sflag:s10] =	ssyncadd.s32 $0xFFFFC000  }
0xe5: {  	[hbm4b:s26+s3] =	stream.linear.scatter [tilespmem:s25], [sflag:$0x5], $0x4000, $0x38;
	[tilespmem:$0x16400] =	vst v63  }
0xe6: {  	_ =	swait.ge [sflag:s15], $0x4000  }
0xe7: {  	[sflag:s15] =	ssyncset.done $0x0  }
0xe8: {  	s28 =	rddreg [dreg:$0xc];
	[sflag:s15] =	ssyncadd.s32 $0xFFFFC000  }
0xe9: {  	[hbm4b:s28+s3] =	stream.linear.scatter [tilespmem:s30], [sflag:$0x6], $0x4000, $0x38;
	[tilespmem:$0x16400] =	vst v63  }
0xea: {  	_ =	swait.ge [sflag:s17], $0x4000  }
0xeb: {  	[sflag:s17] =	ssyncset.done $0x0  }
0xec: {  	[sflag:s17] =	ssyncadd.s32 $0xFFFFC000  }
0xed: {  	_ =	swait.ge [sflag:s20], $0x4000  }
0xee: {  	[sflag:s20] =	ssyncset.done $0x0  }
0xef: {  	[sflag:s20] =	ssyncadd.s32 $0xFFFFC000  }
0xf0: {  	_ =	swait.ge [sflag:s22], $0x4000  }
0xf1: {  	[sflag:s22] =	ssyncset.done $0x0  }
0xf2: {  	[sflag:s22] =	ssyncadd.s32 $0xFFFFC000  }
0xf3: {  	_ =	swait.ge [sflag:s24], $0x4000  }
0xf4: {  	s14 =	rddreg [dreg:$0x11]  }
0xf5: {  	s29 =	rddreg [dreg:$0xd];
	s14 =	sadd.s32 $0x1, s14  }
0xf6: {  	p0 =	sne.s32 s14, s29  }
.Ltmp1:
0xf7: {  	_ = 	snop;
	(pc) =	sbr.rel @p0 .LBB2_1-.Ltmp1, $4  }
0xf8: {  	_ = 	snop  }
0xf9: {  	s1 =	simm.s32 $0xF400;
	s6 =	simm.s32 $0x10400;
	s7 =	simm.s32 $0x11400  }
0xfa: {  	s8 =	simm.s32 $0x13400;
	s13 =	simm.s32 $0x15400;
	[sflag:s24] =	ssyncset.done $0x0  }
0xfb: {  	s16 =	smov.u32 s0;
	s12 =	simm.s32 $0x14400;
	[sflag:s24] =	ssyncadd.s32 $0xFFFFC000  }
0xfc: {  	_ =	sfence.sel $0x180000  }
0xfd: {  	[bflag:$0x0] =	sbarrier.arrive $0xFFFF  }
0xfe: {  	_ =	strace $0x90000047  }
0xff: {  	s0 =	stileid.u32;
	[bflag:$0x2] =	sbarrier.arrive $0xFFFF  }
0x100: {  	p0 =	sne.s32 s0, $0x0;
	s0 =	rddreg [dreg:$0x2]  }
0x101: {  	s0 =	sadd.s32 @!p0 $0x100000, s0  }
0x102: {  	[sflag:s0] =	ssyncadd.tile.s32 @!p0 $0x1;
	_ =	shalt  }
.Lfunc_end2:
_tile_overlayer_lowered:
.L_overlay_start_2:
0x103: {  	(tag) =	ssettag $0x2  }
0x104: {  	s0 =	rddreg [dreg:$0x0];
	s2 =	stileid.u32  }
0x105: {  	s1 =	rddreg [dreg:$0x1];
	p0 =	sne.s32 s2, $0x0  }
0x106: {  	s3 =	rddreg [dreg:$0x2];
	[bflag:$0x3] =	sbarrier.arrive $0xFFFF;
	s2 =	simm.s32 @!p0 $0x1C09  }
0x107: {  	[timem:s3], [sflag:s2] =	dma.local @!p0 [hbm:s0], s1  }
0x108: {  	s0 =	simm.s32 @!p0 $0x9  }
0x109: {  	_ =	swait.ge @!p0 [sflag:s0], s1  }
0x10a: {  	s1 =	ssub.s32 @!p0 $0x0, s1;
	[sflag:s0] =	ssyncset.done @!p0 $0x0  }
0x10b: {  	[sflag:s0] =	ssyncadd.s32 @!p0 s1  }
0x10c: {  	[bflag:$0x3] =	sbarrier.arrive $0xFFFF  }
0x10d: {  	_ =	shalt  }

// kernel: sparse-core-data-format-call.cloned.1.call-start
scs
called_computation_lowered:
.L_overlay_start_0:
0x0: {  	s2 =	sld [smem:$0x3FD9]  }
0x1: {  	s3 =	sld [smem:$0x3FFE];
	_ =	sdelay $0x1  }
0x2: {  	s1 =	srdreg.scid  }
0x3: {  	s0 =	sand.u32 $0x1, s1  }
0x4: {  	s18 =	sshll.u32 s0, $0xA;
	s2 =	sadd.s32 s3, s2  }
0x5: {  	s2 =	sadd.s32 s2, s18  }
0x6: {  	[smem:$0x3FC6] =	sst s2  }
0x7: {  	_ = 	snop  }
0x8: {  	s2 =	sld [smem:$0x3FD0];
	(tm) =	ssettm $0x1  }
0x9: {  	s19 =	sld [smem:$0x3FFB];
	_ =	sdelay $0x3  }
0xa: {  	_ =	strace s19  }
0xb: {  	s3 =	sld [smem:$0x3FFC];
	_ =	sdelay $0x3  }
0xc: {  	_ =	strace s3  }
0xd: {  	s3 =	sld [smem:$0x3FFD];
	_ =	sdelay $0x3  }
0xe: {  	_ =	strace s3  }
0xf: {  	_ =	strace $0x8FFFFFFF  }
0x10: {  	s20 =	sld [smem:$0x3FDB];
	_ =	sdelay $0x1  }
0x11: {  	s4 =	simm.s32 $_scs_section_size  }
0x12: {  	s5 =	simm.s32 $_size__tile_overlayer_lowered;
	s6 =	simm.s32 $_tile_overlayer_lowered  }
0x13: {  	s23 =	simm.s32 $0x1BFF;
	s22 =	sshll.u32 s6, $0x1;
	s3 =	sadd.s32 s4, s20  }
0x14: {  	s7 =	simm.s32 $0x0;
	s21 =	sshll.u32 s5, $0x1;
	s5 =	sadd.s32 s22, s3  }
0x15: {  	[timem:s7], [sflag:s23] =	dma.local [hbm:s5], s21  }
0x16: {  	_ =	swait.ge [sflag:s23], s21  }
0x17: {  	s4 =	ssub.s32 $0x0, s21;
	[sflag:s23] =	ssyncset.done $0x0  }
0x18: {  	[sflag:s23] =	ssyncadd.s32 s4;
	_ =	sdelay $0x1  }
0x19: {  	s24 =	simm.s32 $0x1B8B  }
0x1a: {  	_ =	swait.ge [sflag:s24], $0x1  }
0x1b: {  	[sflag:s24] =	ssyncset.done $0x0  }
0x1c: {  	s26 =	simm.s32 $0x1B8E;
	s25 =	sld [smem:$0x3FFE];
	[sflag:s24] =	ssyncadd.s32 $0xFFFFFFFF  }
0x1d: {  	s27 =	simm.s32 $execute0_lowered;
	[smem:$0x3FD2] =	sst s26  }
0x1e: {  	s5 =	sshll.u32 s27, $0x1;
	_ =	strace $0x80000049;
	[dreg:$0x1] =	wrdreg $0xFFFFFFFF  }
0x1f: {  	s28 =	simm.s32 $_size_execute0_lowered;
	s3 =	sadd.s32 s3, s5;
	[dreg:$0x0] =	wrdreg $0x0  }
0x20: {  	s5 =	sshll.u32 s28, $0x1;
	[dreg:$0x2] =	wrdreg s3  }
0x21: {  	[dreg:$0x3] =	wrdreg s5  }
0x22: {  	[dreg:$0x4] =	wrdreg $0xC0  }
0x23: {  	_ =	task [dreg:s7], $0x5FFFF  }
0x24: {  	[dreg:$0x1] =	wrdreg $0xFFFFFFFF  }
0x25: {  	[dreg:$0x0] =	wrdreg $0x60  }
0x26: {  	[dreg:$0x2] =	wrdreg s25  }
0x27: {  	[dreg:$0x3] =	wrdreg s2  }
0x28: {  	[dreg:$0x4] =	wrdreg $0x9  }
0x29: {  	_ =	task.clear_ibuf [dreg:s7], $0x5FFFF;
	_ =	strace $0x90000049  }
0x2a: {  	s29 =	simm.s32 $0x9;
	_ =	strace $0x8000004B  }
0x2b: {  	_ =	swait.ge [sflag:s29], $0x1  }
0x2c: {  	[sflag:s29] =	ssyncadd.s32 $0xFFFFFFFF  }
0x2d: {  	_ =	strace $0x9000004B  }
0x2e: {  	_ =	sfence  }
0x2f: {  	s30 =	sld [smem:$0x0];
	_ =	sdelay $0x2  }
0x30: {  	s31 =	sshll.u32 s1, $0xD;
	s1 =	sshrl.u32 s1, $0x2  }
0x31: {  	s3 =	sand.u32 $0x4000, s31;
	s1 =	sadd.s32 s1, s30  }
0x32: {  	s0 =	sor.u32 s3, s0;
	s1 =	sshll.u32 s1, $0x11  }
0x33: {  	s0 =	sor.u32 s1, s0  }
0x34: {  	s0 =	sadd.s32 $0x8F2B, s0  }
0x35: {  	[sflag:s0] =	ssyncadd.remote.s32 $0x1  }
0x36: {  	_ =	sfence.sel $0xFFFF  }
0x37: {  	[dreg:$0x0] =	wrdreg $0xFFFFFFFF;
	(pc) =	sbr.abs _section_cstart, $3  }
0x38: {  	[dreg:$0x1] =	wrdreg $0xFFFFFFFF  }
0x39: {  	_ =	task.clear_ibuf [dreg:s7], $0x2FFFF;
	_ =	strace $0x9FFFFFFF  }
0x3a: {  	(tm) =	ssettm $0x7FFFFFFF  }
0x3b: {  	_ =	shalt  }
tec
execute0_lowered:
.L_overlay_start_1:
0x0: {  	(tag) =	ssettag $0x1  }
0x1: {  	s0 =	srdreg.scid  }
0x2: {  	s1 =	sshll.u32 s0, $0x4  }
0x3: {  	s0 =	stileid.u32;
	s1 =	sand.u32 $0x10, s1  }
0x4: {  	s7 =	rddreg [dreg:$0x0];
	s1 =	sor.u32 s0, s1  }
0x5: {  	s4 =	simm.s32 $0x1;
	s8 =	simm.s32 $0x2;
	s2 =	sshll.u32 s1, $0x7  }
0x6: {  	s13 =	simm.s32 $0x0;
	s9 =	simm.s32 $0x20000;
	s1 =	ssub.s32 $0x4000, s2  }
0x7: {  	s14 =	simm.s32 $0x0;
	s11 =	simm.s32 $0x0;
	s3 =	sand.u32 $0xF80, s1  }
0x8: {  	s12 =	simm.s32 $0x0;
	s5 =	sshrl.u32 s1, $0xC;
	p0 =	sne.s32 s3, $0x0  }
.Ltmp0:
0x9: {  	s1 =	rddreg [dreg:$0x2];
	s4 =	simm.s32 @!p0 $0x0;
	(pc) =	sbr.rel .LBB1_1-.Ltmp0, $4  }
0xa: {  	s6 =	sadd.s32 $0xA00, s7;
	s3 =	rddreg [dreg:$0x1];
	s5 =	sadd.s32 s4, s5  }
0xb: {  	_ =	strace $0x8000004A;
	s4 =	simm.s32 $0x1;
	s5 =	smul.u32 $0x19, s5  }
0xc: {  	s7 =	sadd.s32 $0x40A00, s7;
	s10 =	smov.u32 s2;
	[sflag:s4] =	ssyncpa.u1 $0x0  }
0xd: {  	p0 =	por $0x0, $0x0;
	[sflag:s8] =	ssyncpa.u1 $0x0;
	s8 =	sadd.s32 $0x1, s5  }
.LBB1_7:
0xe: {  	s15 =	sadd.s32 $0x1000, s10  }
0xf: {  	s13 =	sadd.s32 $0x2, s11;
	s17 =	smov.u32 s11;
	p2 =	sgt.s32 s15, $0x3FFF  }
0x10: {  	s17 =	smov.u32 @p2 s13  }
0x11: {  	s15 =	smov.u32 @p2 s2;
	p2 =	sgt.s32 s17, $0x31  }
0x12: {  	s17 =	simm.s32 @p2 $0x0;
	p2 =	sne.s32 s12, s8  }
.Ltmp1:
0x13: {  	p1 =	slt.u32 s12, $0x2;
	(pc) =	sbr.rel @!p2 .LBB1_8-.Ltmp1, $4  }
0x14: {  	s16 =	simm.s32 @!p1 $0x2  }
0x15: {  	s14 =	smov.u32 s11;
	p0 =	por !p0, !p0;
	_ =	swait.ge @!p1 [sflag:s16], $0x2000  }
0x16: {  	s13 =	smov.u32 s10;
	[sflag:s16] =	ssyncset.done @!p1 $0x0;
	s10 =	smov.u32 s15  }
0x17: {  	s12 =	sadd.s32 $0x1, s12;
	[sflag:s16] =	ssyncadd.s32 @!p1 $0xFFFFE000;
	s11 =	smov.u32 s17  }
.LBB1_1:
0x18: {  	p1 =	sge.u32 s12, s5  }
0x19: {  	s15 =	sxor.u32 @!p1 $0xFFFFFFFF, s12;
	s16 =	sshll.u32 @!p1 s11, $0x12  }
0x1a: {  	s17 =	sshll.u32 @!p1 s10, $0x4;
	s19 =	simm.s32 @!p1 $0x20;
	s20 =	simm.s32 @!p1 $0x80  }
0x1b: {  	s15 =	sshll.u32 @!p1 s15, $0xD;
	s17 =	sand.u32 @!p1 $0x3FFF0, s17;
	s18 =	sadd.s32 @!p1 s6, s16  }
0x1c: {  	s16 =	sadd.s32 @!p1 s16, s7;
	s15 =	sand.u32 @!p1 $0x2000, s15;
	s18 =	sadd.s32 @!p1 s17, s18  }
0x1d: {  	[tilespmem:s15], [sflag:$0x1] =	stream.strided.gather @!p1 [hbm4b:s18+s19], $0x1000, s20, s19, $0x38;
	[tilespmem:$0x8080] =	vst v63  }
0x1e: {  	s31 =	sadd.s32 $0xFFFFFFFF, s12;
	s16 =	sadd.s32 @!p1 s17, s16;
	s15 =	sor.u32 @!p1 $0x1000, s15  }
0x1f: {  	[tilespmem:s15], [sflag:$0x1] =	stream.strided.gather @!p1 [hbm4b:s16+s19], $0x1000, s20, s19, $0x38;
	[tilespmem:$0x8080] =	vst v63  }
0x20: {  	p1 =	sge.u32 s31, s5  }
.Ltmp2:
0x21: {  	_ = 	snop;
	(pc) =	sbr.rel @p1 .LBB1_7-.Ltmp2, $1  }
0x22: {  	_ =	sdelay $0x3  }
0x23: {  	s15 =	simm.s32 $0x1;
	s17 =	sand.u32 $0x1, s12  }
0x24: {  	_ =	swait.ge [sflag:s4], $0x2000;
	s15 =	simm.s32 @!p0 $0x0;
	s17 =	smul.u32 $0x8100, s17  }
0x25: {  	p2 =	por $0x1, $0x1;
	[sflag:s4] =	ssyncset.done $0x0;
	s16 =	smul.u32 $0x8100, s15  }
0x26: {  	s18 =	sshll.u32 s15, $0xF;
	[sflag:s4] =	ssyncadd.s32 $0xFFFFE000;
	s30 =	sshrl.u32 s17, $0x2  }
0x27: {  	s31 =	sshrl.u32 s18, $0x2;
	s18 =	simm.s32 $0x0;
	s16 =	sshrl.u32 s16, $0x2  }
0x28: {  	s15 =	sor.u32 $0x4000, s30;
	s17 =	sadd.s32 $0x10, s31;
	s16 =	sor.u32 $0x4000, s16  }
.LBB1_3:
0x29: {  	s19 =	sshll.u32 s18, $0xC  }
0x2a: {  	s19 =	sand.u32 $0x3FFFF000, s19  }
0x2b: {  	s20 =	sadd.s32 s19, s17  }
0x2c: {  	s31 =	smul.u32 $0x4080, s18;
	v1 =	vld [tilespmem:s20+$0x0]  }
0x2d: {  	v0 =	vld [tilespmem:s20+$0xFFFFFFF0]  }
0x2e: {  	s18 =	sshra.s32 s31, $0x2  }
0x2f: {  	s18 =	sadd.s32 s18, s16  }
0x30: {  	s21 =	sadd.s32 $0x0, s18  }
0x31: {  	p1 =	por p2, p2;
	s19 =	simm.s32 $0x4;
	s20 =	sadd.s32 $0x20, s20;
	[tilespmem:s21+$0x810 ss:$0x81] =	vst.msk $0xffff, v1  }
.LBB1_4:
0x32: {  	v1 =	vld [tilespmem:s20+$0x0];
	p2 =	sne.s32 s19, $0x1FC;
	[tilespmem:s21+$0x0 ss:$0x81] =	vst.msk $0xffff, v0;
	s21 =	smov.u32 s19;
	s19 =	sadd.s32 $0x4, s19  }
.Ltmp3:
0x33: {  	v0 =	vld [tilespmem:s20+$0xFFFFFFF0];
	(pc) =	sbr.rel @p2 .LBB1_4-.Ltmp3, $4  }
0x34: {  	_ = 	snop  }
0x35: {  	s21 =	sshra.s32 s21, $0x2  }
0x36: {  	s21 =	sadd.s32 s21, s18  }
0x37: {  	s20 =	sadd.s32 $0x20, s20;
	[tilespmem:s21+$0x810 ss:$0x81] =	vst.msk $0xffff, v1  }
.Ltmp4:
0x38: {  	(pc) =	sbr.rel @p1 .LBB1_3-.Ltmp4, $2  }
0x39: {  	_ =	sdelay $0x2  }
0x3a: {  	[tilespmem:s21+$0x0 ss:$0x81] =	vst.msk $0xffff, v0;
	s18 =	simm.s32 $0x1;
	p2 =	por $0x0, $0x0  }
0x3b: {  	s16 =	sshll.u32 s13, $0x3;
	s17 =	sand.u32 $0x78, s13;
	s14 =	sshll.u32 s14, $0x10  }
.Ltmp5:
0x3c: {  	s30 =	sand.u32 $0xF800, s13;
	s16 =	sand.u32 $0x3C00, s16;
	(pc) =	sbr.rel .LBB1_7-.Ltmp5, $4  }
0x3d: {  	s31 =	sand.u32 $0x7, s13;
	s14 =	sadd.s32 s3, s14;
	s16 =	sor.u32 s17, s16  }
0x3e: {  	s13 =	sshll.u32 s31, $0x12;
	s14 =	sadd.s32 s30, s14;
	s16 =	sshrl.u32 s16, $0x3  }
0x3f: {  	s13 =	sor.u32 $0x400, s13;
	s14 =	sadd.s32 s16, s14  }
0x40: {  	[hbm4b:s14+s13] =	stream.strided.scatter [tilespmem:s15], [sflag:$0x2], $0x2000, s9, s13, $0x20;
	[tilespmem:$0x8080] =	vst v63  }
.LBB1_8:
0x41: {  	_ =	sfence.sel $0x180000  }
0x42: {  	s2 =	simm.s32 $0x1;
	[bflag:$0x0] =	sbarrier.arrive $0xFFFF  }
0x43: {  	s31 =	simm.s32 $0x2;
	[sflag:s2] =	ssyncpa.u1 $0x1  }
0x44: {  	[sflag:s31] =	ssyncpa.u1 $0x1  }
0x45: {  	p0 =	sne.s32 s0, $0x0;
	_ =	strace $0x9000004A  }
0x46: {  	s0 =	sadd.s32 @!p0 $0x100000, s1;
	[bflag:$0x2] =	sbarrier.arrive $0xFFFF  }
0x47: {  	[sflag:s0] =	ssyncadd.tile.s32 @!p0 $0x1;
	_ =	shalt  }
.Lfunc_end1:
_tile_overlayer_lowered:
.L_overlay_start_2:
0x48: {  	(tag) =	ssettag $0x2  }
0x49: {  	s0 =	rddreg [dreg:$0x0];
	s2 =	stileid.u32  }
0x4a: {  	s1 =	rddreg [dreg:$0x1];
	p0 =	sne.s32 s2, $0x0  }
0x4b: {  	s3 =	rddreg [dreg:$0x2];
	[bflag:$0x3] =	sbarrier.arrive $0xFFFF;
	s2 =	simm.s32 @!p0 $0x1C01  }
0x4c: {  	[timem:s3], [sflag:s2] =	dma.local @!p0 [hbm:s0], s1  }
0x4d: {  	s0 =	simm.s32 @!p0 $0x1  }
0x4e: {  	_ =	swait.ge @!p0 [sflag:s0], s1  }
0x4f: {  	s1 =	ssub.s32 @!p0 $0x0, s1;
	[sflag:s0] =	ssyncset.done @!p0 $0x0  }
0x50: {  	[sflag:s0] =	ssyncadd.s32 @!p0 s1  }
0x51: {  	[bflag:$0x3] =	sbarrier.arrive $0xFFFF  }
0x52: {  	_ =	shalt  }

</sc_bundles>
